<compile_context>
chip_gen: v7x
topology: tpu7x:2x2x1
jax: 0.10.2.dev20260603
libtpu: 0.0.44.dev20260713+nightly
codegen_flags: <defaults>
</compile_context>

<pallas_src>
import functools

import jax
import jax.numpy as jnp
from jax import lax
from jax.experimental import pallas as pl
from jax.experimental.pallas import tpu as pltpu
from jax.experimental.pallas import tpu_sc as plsc

_D = 1000
_DP = 1024
_NC, _NS = 2, 16
_NW = _NC * _NS
_BATCH = 1024
_SEQ = 50
_SEQP = 56
_LSTR = 64
_BPW = _BATCH // _NW
_LPW = _BPW * _LSTR


def _gather_rows(table_p, ilist):
  mesh = plsc.VectorSubcoreMesh(core_axis_name="c", subcore_axis_name="s")

  @functools.partial(
      pl.kernel,
      mesh=mesh,
      out_type=jax.ShapeDtypeStruct((_BATCH, _SEQP, _DP), jnp.float32),
      scratch_types=[
          pltpu.VMEM((_LPW,), jnp.int32),
          pltpu.VMEM((2, _SEQP, _DP), jnp.float32),
          pltpu.SemaphoreType.DMA((2,)),
          pltpu.SemaphoreType.DMA((2,)),
      ],
  )
  def body(table_hbm, ilist_hbm, out_hbm, ilist_v, rows_v, gsem, ssem):
    wid = lax.axis_index("s") * _NC + lax.axis_index("c")
    base = pl.multiple_of(wid * _LPW, 8)
    pltpu.sync_copy(ilist_hbm.at[pl.ds(base, _LPW)], ilist_v)

    def gather_desc(j, b):
      off = pl.multiple_of(j * _LSTR, 8)
      return pltpu.make_async_copy(
          table_hbm.at[ilist_v.at[pl.ds(off, _SEQP)]], rows_v.at[b], gsem.at[b]
      )

    def scatter_desc(j, b):
      return pltpu.make_async_copy(
          rows_v.at[b], out_hbm.at[wid * _BPW + j], ssem.at[b]
      )

    gather_desc(0, 0).start()
    gather_desc(1, 1).start()

    def batch_step(j, carry):
      b = lax.rem(j, 2)
      gather_desc(j, b).wait()
      scatter_desc(j, b).start()

      @pl.when(j + 2 < _BPW)
      def _():
        scatter_desc(j, b).wait()
        gather_desc(j + 2, b).start()

      return carry

    lax.fori_loop(0, _BPW, batch_step, 0)
    scatter_desc(_BPW - 2, 0).wait()
    scatter_desc(_BPW - 1, 1).wait()

  return body(table_p, ilist)


def kernel(x, table):
  xi = x.astype(jnp.int32)
  ilist = jnp.concatenate(
      [xi, jnp.broadcast_to(xi[:, _SEQ - 1 :], (_BATCH, _LSTR - _SEQ))], axis=1
  ).reshape(-1)
  table_p = jnp.pad(table, ((0, 0), (0, _DP - _D)))
  padded = _gather_rows(table_p, ilist)
  return padded[:, :_SEQ, :_D]

# --- scband reference (transcript-rebuilt; emitter-appended) ---
"""Pipeline reference for scband-bigram-model-57818849738821 (READ-ONLY COPY).

The authoritative reference and input builder live on the scoring server;
editing this copy changes nothing except your own understanding.
"""

import jax, jax.numpy as jnp
import numpy as np

EMBEDDING_SIZE = 1000
BATCH = 1024
SEQ = 50

def setup_inputs(seed: int = 0) -> dict:
    key = jax.random.key(seed)
    k_idx, k_tab = jax.random.split(key)
    x = jax.random.randint(k_idx, (BATCH, SEQ), 0, EMBEDDING_SIZE, dtype=jnp.int64 if jax.config.jax_enable_x64 else jnp.int32)
    # nn.Embedding default init: N(0, 1)
    table = jax.random.normal(k_tab, (EMBEDDING_SIZE, EMBEDDING_SIZE), dtype=jnp.float32)
    return {"x": x, "table": table}

def reference(x, table):
    # BigramModel.forward: self.embedding(x)
    return jnp.take(table, x, axis=0)

if __name__ == "__main__":
    import jax
    _d = setup_inputs()
    print(jax.jit(kernel)(*tuple(_d.values())))

</pallas_src>

<mosaic_0001>
#map = affine_map<(d0, d1) -> (0, 0)>
#map1 = affine_map<(d0, d1) -> (0)>
#map2 = affine_map<(d0, d1) -> (0, 0, 0)>
module attributes {stable_mosaic.version = 14 : i64} {
  func.func @body(%arg0: i32, %arg1: i32, %arg2: memref<1000x1024xf32, #tpu.memory_space<hbm>>, %arg3: memref<65536xi32, #tpu.memory_space<hbm>>, %arg4: memref<1024x56x1024xf32, #tpu.memory_space<hbm>>, %arg5: memref<2048xi32, #tpu.memory_space<vmem>>, %arg6: memref<2x56x1024xf32, #tpu.memory_space<vmem>>, %arg7: memref<2x!tpu.dma_semaphore, #tpu.memory_space<semaphore_mem>>, %arg8: memref<2x!tpu.dma_semaphore, #tpu.memory_space<semaphore_mem>>) attributes {dimension_semantics = [#tpu.dimension_semantics<core_parallel>, #tpu.dimension_semantics<subcore_parallel>], iteration_bounds = array<i64: 2, 16>, scalar_prefetch = 0 : i64, scratch_operands = 4 : i64, tpu.core_type = #tpu.core_type<sc_vector_subcore>, window_params = [{transform_indices = #map}, {transform_indices = #map1}, {transform_indices = #map2}]} {
    %mul3A = arith.constant 2 : i32
    %mul3A_0 = arith.muli %arg1, %mul3A : i32
    %add3A = arith.addi %mul3A_0, %arg0 : i32
    %mul3A_1 = arith.constant 2048 : i32
    %mul3A_2 = arith.muli %add3A, %mul3A_1 : i32
    %multiple_of3A = tpu.assume_multiple %mul3A_2, 8 : i32
    "tpu.region"() ({
      %run_scoped3A = tpu.sem_alloc : memref<!tpu.dma_semaphore, #tpu.memory_space<semaphore_mem>>
      %dma_start3A_82 = tpu.memref_slice %arg3[%multiple_of3A] : memref<65536xi32, #tpu.memory_space<hbm>> -> memref<2048xi32, #tpu.memory_space<hbm>>
      %dma_start3A_83 = tpu.memref_slice %arg3[%multiple_of3A] : memref<65536xi32, #tpu.memory_space<hbm>> -> memref<2048xi32, #tpu.memory_space<hbm>>
      tpu.enqueue_dma source(%dma_start3A_83 : memref<2048xi32, #tpu.memory_space<hbm>>) target(%arg5 : memref<2048xi32, #tpu.memory_space<vmem>>) target_semaphore(%run_scoped3A : memref<!tpu.dma_semaphore, #tpu.memory_space<semaphore_mem>>)
      %dma_wait3A_84 = tpu.memref_slice %arg3[%multiple_of3A] : memref<65536xi32, #tpu.memory_space<hbm>> -> memref<2048xi32, #tpu.memory_space<hbm>>
      %dma_wait3A_85 = tpu.memref_slice %arg3[%multiple_of3A] : memref<65536xi32, #tpu.memory_space<hbm>> -> memref<2048xi32, #tpu.memory_space<hbm>>
      tpu.wait_dma2 semaphore(%run_scoped3A : memref<!tpu.dma_semaphore, #tpu.memory_space<semaphore_mem>>) src(%dma_wait3A_85 : memref<2048xi32, #tpu.memory_space<hbm>>) dst(%arg5 : memref<2048xi32, #tpu.memory_space<vmem>>)
      tpu.yield
    }) : () -> ()
    %multiple_of3A_3 = arith.constant 0 : i32
    %multiple_of3A_4 = tpu.assume_multiple %multiple_of3A_3, 8 : i32
    %dma_start3A = arith.constant 0 : i32
    %dma_start3A_5 = arith.constant 0 : i32
    %dma_start3A_6 = arith.constant 0 : i32
    %dma_start3A_7 = arith.constant 0 : i32
    %dma_start3A_8 = tpu.memref_slice %arg6[%dma_start3A, %dma_start3A_6, %dma_start3A_7] : memref<2x56x1024xf32, #tpu.memory_space<vmem>> -> memref<1x56x1024xf32, #tpu.memory_space<vmem>>
    %dma_start3A_9 = tpu.memref_squeeze %dma_start3A_8 : memref<1x56x1024xf32, #tpu.memory_space<vmem>> -> memref<56x1024xf32, #tpu.memory_space<vmem>>
    %dma_start3A_10 = tpu.memref_slice %arg5[%multiple_of3A_4] : memref<2048xi32, #tpu.memory_space<vmem>> -> memref<56xi32, #tpu.memory_space<vmem>>
    %dma_start3A_11 = arith.constant 0 : i32
    %dma_start3A_12 = arith.constant 0 : i32
    %dma_start3A_13 = tpu.memref_slice %arg2[%dma_start3A_11, %dma_start3A_12] : memref<1000x1024xf32, #tpu.memory_space<hbm>> -> memref<1000x1024xf32, #tpu.memory_space<hbm>>
    %dma_start3A_14 = tpu.memref_slice %arg7[%dma_start3A_5] : memref<2x!tpu.dma_semaphore, #tpu.memory_space<semaphore_mem>> -> memref<1x!tpu.dma_semaphore, #tpu.memory_space<semaphore_mem>>
    %dma_start3A_15 = tpu.memref_squeeze %dma_start3A_14 : memref<1x!tpu.dma_semaphore, #tpu.memory_space<semaphore_mem>> -> memref<!tpu.dma_semaphore, #tpu.memory_space<semaphore_mem>>
    tpu.enqueue_indirect_dma source(%dma_start3A_13 : memref<1000x1024xf32, #tpu.memory_space<hbm>>) target(%dma_start3A_9 : memref<56x1024xf32, #tpu.memory_space<vmem>>) offsets(%dma_start3A_10 : memref<56xi32, #tpu.memory_space<vmem>>) semaphore(%dma_start3A_15 : memref<!tpu.dma_semaphore, #tpu.memory_space<semaphore_mem>>)
    %multiple_of3A_16 = arith.constant 64 : i32
    %multiple_of3A_17 = tpu.assume_multiple %multiple_of3A_16, 8 : i32
    %dma_start3A_18 = arith.constant 1 : i32
    %dma_start3A_19 = arith.constant 1 : i32
    %dma_start3A_20 = arith.constant 0 : i32
    %dma_start3A_21 = arith.constant 0 : i32
    %dma_start3A_22 = tpu.memref_slice %arg6[%dma_start3A_18, %dma_start3A_20, %dma_start3A_21] : memref<2x56x1024xf32, #tpu.memory_space<vmem>> -> memref<1x56x1024xf32, #tpu.memory_space<vmem>>
    %dma_start3A_23 = tpu.memref_squeeze %dma_start3A_22 : memref<1x56x1024xf32, #tpu.memory_space<vmem>> -> memref<56x1024xf32, #tpu.memory_space<vmem>>
    %dma_start3A_24 = tpu.memref_slice %arg5[%multiple_of3A_17] : memref<2048xi32, #tpu.memory_space<vmem>> -> memref<56xi32, #tpu.memory_space<vmem>>
    %dma_start3A_25 = arith.constant 0 : i32
    %dma_start3A_26 = arith.constant 0 : i32
    %dma_start3A_27 = tpu.memref_slice %arg2[%dma_start3A_25, %dma_start3A_26] : memref<1000x1024xf32, #tpu.memory_space<hbm>> -> memref<1000x1024xf32, #tpu.memory_space<hbm>>
    %dma_start3A_28 = tpu.memref_slice %arg7[%dma_start3A_19] : memref<2x!tpu.dma_semaphore, #tpu.memory_space<semaphore_mem>> -> memref<1x!tpu.dma_semaphore, #tpu.memory_space<semaphore_mem>>
    %dma_start3A_29 = tpu.memref_squeeze %dma_start3A_28 : memref<1x!tpu.dma_semaphore, #tpu.memory_space<semaphore_mem>> -> memref<!tpu.dma_semaphore, #tpu.memory_space<semaphore_mem>>
    tpu.enqueue_indirect_dma source(%dma_start3A_27 : memref<1000x1024xf32, #tpu.memory_space<hbm>>) target(%dma_start3A_23 : memref<56x1024xf32, #tpu.memory_space<vmem>>) offsets(%dma_start3A_24 : memref<56xi32, #tpu.memory_space<vmem>>) semaphore(%dma_start3A_29 : memref<!tpu.dma_semaphore, #tpu.memory_space<semaphore_mem>>)
    %scan3A = arith.constant 0 : i32
    %scan3A_30 = arith.constant 0 : i32
    %scan3A_31 = arith.constant 32 : i32
    %scan3A_32 = arith.addi %scan3A_30, %scan3A_31 : i32
    %scan3A_33 = arith.constant 1 : i32
    scf.for %scan3A_82 = %scan3A_30 to %scan3A_32 step %scan3A_33  : i32 {
      %rem3A = arith.constant 2 : i32
      %rem3A_83 = arith.remsi %scan3A_82, %rem3A : i32
      %mul3A_84 = arith.constant 64 : i32
      %mul3A_85 = arith.muli %scan3A_82, %mul3A_84 : i32
      %multiple_of3A_86 = tpu.assume_multiple %mul3A_85, 8 : i32
      %dma_wait3A_87 = arith.constant 0 : i32
      %dma_wait3A_88 = arith.constant 0 : i32
      %dma_wait3A_89 = tpu.memref_slice %arg6[%rem3A_83, %dma_wait3A_87, %dma_wait3A_88] : memref<2x56x1024xf32, #tpu.memory_space<vmem>> -> memref<1x56x1024xf32, #tpu.memory_space<vmem>>
      %dma_wait3A_90 = tpu.memref_squeeze %dma_wait3A_89 : memref<1x56x1024xf32, #tpu.memory_space<vmem>> -> memref<56x1024xf32, #tpu.memory_space<vmem>>
      %dma_wait3A_91 = tpu.memref_slice %arg5[%multiple_of3A_86] : memref<2048xi32, #tpu.memory_space<vmem>> -> memref<56xi32, #tpu.memory_space<vmem>>
      %dma_wait3A_92 = arith.constant 0 : i32
      %dma_wait3A_93 = arith.constant 0 : i32
      %dma_wait3A_94 = tpu.memref_slice %arg2[%dma_wait3A_92, %dma_wait3A_93] : memref<1000x1024xf32, #tpu.memory_space<hbm>> -> memref<1000x1024xf32, #tpu.memory_space<hbm>>
      %dma_wait3A_95 = tpu.memref_slice %arg7[%rem3A_83] : memref<2x!tpu.dma_semaphore, #tpu.memory_space<semaphore_mem>> -> memref<1x!tpu.dma_semaphore, #tpu.memory_space<semaphore_mem>>
      %dma_wait3A_96 = tpu.memref_squeeze %dma_wait3A_95 : memref<1x!tpu.dma_semaphore, #tpu.memory_space<semaphore_mem>> -> memref<!tpu.dma_semaphore, #tpu.memory_space<semaphore_mem>>
      tpu.wait_indirect_dma semaphore(%dma_wait3A_96 : memref<!tpu.dma_semaphore, #tpu.memory_space<semaphore_mem>>) src(%dma_wait3A_94 : memref<1000x1024xf32, #tpu.memory_space<hbm>>) dst(%dma_wait3A_90 : memref<56x1024xf32, #tpu.memory_space<vmem>>)
      %mul3A_97 = arith.constant 32 : i32
      %mul3A_98 = arith.muli %add3A, %mul3A_97 : i32
      %add3A_99 = arith.addi %mul3A_98, %scan3A_82 : i32
      %dma_start3A_100 = arith.constant 0 : i32
      %dma_start3A_101 = arith.constant 0 : i32
      %dma_start3A_102 = tpu.memref_slice %arg6[%rem3A_83, %dma_start3A_100, %dma_start3A_101] : memref<2x56x1024xf32, #tpu.memory_space<vmem>> -> memref<1x56x1024xf32, #tpu.memory_space<vmem>>
      %dma_start3A_103 = tpu.memref_squeeze %dma_start3A_102 : memref<1x56x1024xf32, #tpu.memory_space<vmem>> -> memref<56x1024xf32, #tpu.memory_space<vmem>>
      %dma_start3A_104 = arith.constant 0 : i32
      %dma_start3A_105 = arith.constant 0 : i32
      %dma_start3A_106 = tpu.memref_slice %arg4[%add3A_99, %dma_start3A_104, %dma_start3A_105] : memref<1024x56x1024xf32, #tpu.memory_space<hbm>> -> memref<1x56x1024xf32, #tpu.memory_space<hbm>>
      %dma_start3A_107 = tpu.memref_squeeze %dma_start3A_106 : memref<1x56x1024xf32, #tpu.memory_space<hbm>> -> memref<56x1024xf32, #tpu.memory_space<hbm>>
      %dma_start3A_108 = tpu.memref_slice %arg8[%rem3A_83] : memref<2x!tpu.dma_semaphore, #tpu.memory_space<semaphore_mem>> -> memref<1x!tpu.dma_semaphore, #tpu.memory_space<semaphore_mem>>
      %dma_start3A_109 = tpu.memref_squeeze %dma_start3A_108 : memref<1x!tpu.dma_semaphore, #tpu.memory_space<semaphore_mem>> -> memref<!tpu.dma_semaphore, #tpu.memory_space<semaphore_mem>>
      %dma_start3A_110 = arith.constant 0 : i32
      %dma_start3A_111 = arith.constant 0 : i32
      %dma_start3A_112 = tpu.memref_slice %arg4[%add3A_99, %dma_start3A_110, %dma_start3A_111] : memref<1024x56x1024xf32, #tpu.memory_space<hbm>> -> memref<1x56x1024xf32, #tpu.memory_space<hbm>>
      %dma_start3A_113 = tpu.memref_squeeze %dma_start3A_112 : memref<1x56x1024xf32, #tpu.memory_space<hbm>> -> memref<56x1024xf32, #tpu.memory_space<hbm>>
      %dma_start3A_114 = arith.constant 0 : i32
      %dma_start3A_115 = arith.constant 0 : i32
      %dma_start3A_116 = tpu.memref_slice %arg6[%rem3A_83, %dma_start3A_114, %dma_start3A_115] : memref<2x56x1024xf32, #tpu.memory_space<vmem>> -> memref<1x56x1024xf32, #tpu.memory_space<vmem>>
      %dma_start3A_117 = tpu.memref_squeeze %dma_start3A_116 : memref<1x56x1024xf32, #tpu.memory_space<vmem>> -> memref<56x1024xf32, #tpu.memory_space<vmem>>
      tpu.enqueue_dma source(%dma_start3A_117 : memref<56x1024xf32, #tpu.memory_space<vmem>>) target(%dma_start3A_113 : memref<56x1024xf32, #tpu.memory_space<hbm>>) target_semaphore(%dma_start3A_109 : memref<!tpu.dma_semaphore, #tpu.memory_space<semaphore_mem>>)
      %add3A_118 = arith.constant 2 : i32
      %add3A_119 = arith.addi %scan3A_82, %add3A_118 : i32
      %lt3A = arith.constant 32 : i32
      %lt3A_120 = arith.cmpi slt, %add3A_119, %lt3A : i32
      %convert_element_type3A = arith.extui %lt3A_120 : i1 to i32
      %cond3A = arith.constant 0 : i32
      %cond3A_121 = arith.cmpi ne, %convert_element_type3A, %cond3A : i32
      scf.if %cond3A_121 {
        %mul3A_122 = arith.constant 32 : i32
        %mul3A_123 = arith.muli %add3A, %mul3A_122 : i32
        %add3A_124 = arith.addi %mul3A_123, %scan3A_82 : i32
        %dma_wait3A_125 = arith.constant 0 : i32
        %dma_wait3A_126 = arith.constant 0 : i32
        %dma_wait3A_127 = tpu.memref_slice %arg6[%rem3A_83, %dma_wait3A_125, %dma_wait3A_126] : memref<2x56x1024xf32, #tpu.memory_space<vmem>> -> memref<1x56x1024xf32, #tpu.memory_space<vmem>>
        %dma_wait3A_128 = tpu.memref_squeeze %dma_wait3A_127 : memref<1x56x1024xf32, #tpu.memory_space<vmem>> -> memref<56x1024xf32, #tpu.memory_space<vmem>>
        %dma_wait3A_129 = arith.constant 0 : i32
        %dma_wait3A_130 = arith.constant 0 : i32
        %dma_wait3A_131 = tpu.memref_slice %arg4[%add3A_124, %dma_wait3A_129, %dma_wait3A_130] : memref<1024x56x1024xf32, #tpu.memory_space<hbm>> -> memref<1x56x1024xf32, #tpu.memory_space<hbm>>
        %dma_wait3A_132 = tpu.memref_squeeze %dma_wait3A_131 : memref<1x56x1024xf32, #tpu.memory_space<hbm>> -> memref<56x1024xf32, #tpu.memory_space<hbm>>
        %dma_wait3A_133 = tpu.memref_slice %arg8[%rem3A_83] : memref<2x!tpu.dma_semaphore, #tpu.memory_space<semaphore_mem>> -> memref<1x!tpu.dma_semaphore, #tpu.memory_space<semaphore_mem>>
        %dma_wait3A_134 = tpu.memref_squeeze %dma_wait3A_133 : memref<1x!tpu.dma_semaphore, #tpu.memory_space<semaphore_mem>> -> memref<!tpu.dma_semaphore, #tpu.memory_space<semaphore_mem>>
        %dma_wait3A_135 = arith.constant 0 : i32
        %dma_wait3A_136 = arith.constant 0 : i32
        %dma_wait3A_137 = tpu.memref_slice %arg4[%add3A_124, %dma_wait3A_135, %dma_wait3A_136] : memref<1024x56x1024xf32, #tpu.memory_space<hbm>> -> memref<1x56x1024xf32, #tpu.memory_space<hbm>>
        %dma_wait3A_138 = tpu.memref_squeeze %dma_wait3A_137 : memref<1x56x1024xf32, #tpu.memory_space<hbm>> -> memref<56x1024xf32, #tpu.memory_space<hbm>>
        %dma_wait3A_139 = arith.constant 0 : i32
        %dma_wait3A_140 = arith.constant 0 : i32
        %dma_wait3A_141 = tpu.memref_slice %arg6[%rem3A_83, %dma_wait3A_139, %dma_wait3A_140] : memref<2x56x1024xf32, #tpu.memory_space<vmem>> -> memref<1x56x1024xf32, #tpu.memory_space<vmem>>
        %dma_wait3A_142 = tpu.memref_squeeze %dma_wait3A_141 : memref<1x56x1024xf32, #tpu.memory_space<vmem>> -> memref<56x1024xf32, #tpu.memory_space<vmem>>
        tpu.wait_dma2 semaphore(%dma_wait3A_134 : memref<!tpu.dma_semaphore, #tpu.memory_space<semaphore_mem>>) src(%dma_wait3A_142 : memref<56x1024xf32, #tpu.memory_space<vmem>>) dst(%dma_wait3A_138 : memref<56x1024xf32, #tpu.memory_space<hbm>>)
        %add3A_143 = arith.constant 2 : i32
        %add3A_144 = arith.addi %scan3A_82, %add3A_143 : i32
        %mul3A_145 = arith.constant 64 : i32
        %mul3A_146 = arith.muli %add3A_144, %mul3A_145 : i32
        %multiple_of3A_147 = tpu.assume_multiple %mul3A_146, 8 : i32
        %dma_start3A_148 = arith.constant 0 : i32
        %dma_start3A_149 = arith.constant 0 : i32
        %dma_start3A_150 = tpu.memref_slice %arg6[%rem3A_83, %dma_start3A_148, %dma_start3A_149] : memref<2x56x1024xf32, #tpu.memory_space<vmem>> -> memref<1x56x1024xf32, #tpu.memory_space<vmem>>
        %dma_start3A_151 = tpu.memref_squeeze %dma_start3A_150 : memref<1x56x1024xf32, #tpu.memory_space<vmem>> -> memref<56x1024xf32, #tpu.memory_space<vmem>>
        %dma_start3A_152 = tpu.memref_slice %arg5[%multiple_of3A_147] : memref<2048xi32, #tpu.memory_space<vmem>> -> memref<56xi32, #tpu.memory_space<vmem>>
        %dma_start3A_153 = arith.constant 0 : i32
        %dma_start3A_154 = arith.constant 0 : i32
        %dma_start3A_155 = tpu.memref_slice %arg2[%dma_start3A_153, %dma_start3A_154] : memref<1000x1024xf32, #tpu.memory_space<hbm>> -> memref<1000x1024xf32, #tpu.memory_space<hbm>>
        %dma_start3A_156 = tpu.memref_slice %arg7[%rem3A_83] : memref<2x!tpu.dma_semaphore, #tpu.memory_space<semaphore_mem>> -> memref<1x!tpu.dma_semaphore, #tpu.memory_space<semaphore_mem>>
        %dma_start3A_157 = tpu.memref_squeeze %dma_start3A_156 : memref<1x!tpu.dma_semaphore, #tpu.memory_space<semaphore_mem>> -> memref<!tpu.dma_semaphore, #tpu.memory_space<semaphore_mem>>
        tpu.enqueue_indirect_dma source(%dma_start3A_155 : memref<1000x1024xf32, #tpu.memory_space<hbm>>) target(%dma_start3A_151 : memref<56x1024xf32, #tpu.memory_space<vmem>>) offsets(%dma_start3A_152 : memref<56xi32, #tpu.memory_space<vmem>>) semaphore(%dma_start3A_157 : memref<!tpu.dma_semaphore, #tpu.memory_space<semaphore_mem>>)
      } else {
      }
    }
    %scan3A_34 = arith.constant 32 : i32
    %mul3A_35 = arith.constant 32 : i32
    %mul3A_36 = arith.muli %add3A, %mul3A_35 : i32
    %add3A_37 = arith.constant 30 : i32
    %add3A_38 = arith.addi %mul3A_36, %add3A_37 : i32
    %dma_wait3A = arith.constant 0 : i32
    %dma_wait3A_39 = arith.constant 0 : i32
    %dma_wait3A_40 = arith.constant 0 : i32
    %dma_wait3A_41 = arith.constant 0 : i32
    %dma_wait3A_42 = tpu.memref_slice %arg6[%dma_wait3A, %dma_wait3A_40, %dma_wait3A_41] : memref<2x56x1024xf32, #tpu.memory_space<vmem>> -> memref<1x56x1024xf32, #tpu.memory_space<vmem>>
    %dma_wait3A_43 = tpu.memref_squeeze %dma_wait3A_42 : memref<1x56x1024xf32, #tpu.memory_space<vmem>> -> memref<56x1024xf32, #tpu.memory_space<vmem>>
    %dma_wait3A_44 = arith.constant 0 : i32
    %dma_wait3A_45 = arith.constant 0 : i32
    %dma_wait3A_46 = tpu.memref_slice %arg4[%add3A_38, %dma_wait3A_44, %dma_wait3A_45] : memref<1024x56x1024xf32, #tpu.memory_space<hbm>> -> memref<1x56x1024xf32, #tpu.memory_space<hbm>>
    %dma_wait3A_47 = tpu.memref_squeeze %dma_wait3A_46 : memref<1x56x1024xf32, #tpu.memory_space<hbm>> -> memref<56x1024xf32, #tpu.memory_space<hbm>>
    %dma_wait3A_48 = tpu.memref_slice %arg8[%dma_wait3A_39] : memref<2x!tpu.dma_semaphore, #tpu.memory_space<semaphore_mem>> -> memref<1x!tpu.dma_semaphore, #tpu.memory_space<semaphore_mem>>
    %dma_wait3A_49 = tpu.memref_squeeze %dma_wait3A_48 : memref<1x!tpu.dma_semaphore, #tpu.memory_space<semaphore_mem>> -> memref<!tpu.dma_semaphore, #tpu.memory_space<semaphore_mem>>
    %dma_wait3A_50 = arith.constant 0 : i32
    %dma_wait3A_51 = arith.constant 0 : i32
    %dma_wait3A_52 = tpu.memref_slice %arg4[%add3A_38, %dma_wait3A_50, %dma_wait3A_51] : memref<1024x56x1024xf32, #tpu.memory_space<hbm>> -> memref<1x56x1024xf32, #tpu.memory_space<hbm>>
    %dma_wait3A_53 = tpu.memref_squeeze %dma_wait3A_52 : memref<1x56x1024xf32, #tpu.memory_space<hbm>> -> memref<56x1024xf32, #tpu.memory_space<hbm>>
    %dma_wait3A_54 = arith.constant 0 : i32
    %dma_wait3A_55 = arith.constant 0 : i32
    %dma_wait3A_56 = tpu.memref_slice %arg6[%dma_wait3A, %dma_wait3A_54, %dma_wait3A_55] : memref<2x56x1024xf32, #tpu.memory_space<vmem>> -> memref<1x56x1024xf32, #tpu.memory_space<vmem>>
    %dma_wait3A_57 = tpu.memref_squeeze %dma_wait3A_56 : memref<1x56x1024xf32, #tpu.memory_space<vmem>> -> memref<56x1024xf32, #tpu.memory_space<vmem>>
    tpu.wait_dma2 semaphore(%dma_wait3A_49 : memref<!tpu.dma_semaphore, #tpu.memory_space<semaphore_mem>>) src(%dma_wait3A_57 : memref<56x1024xf32, #tpu.memory_space<vmem>>) dst(%dma_wait3A_53 : memref<56x1024xf32, #tpu.memory_space<hbm>>)
    %mul3A_58 = arith.constant 32 : i32
    %mul3A_59 = arith.muli %add3A, %mul3A_58 : i32
    %add3A_60 = arith.constant 31 : i32
    %add3A_61 = arith.addi %mul3A_59, %add3A_60 : i32
    %dma_wait3A_62 = arith.constant 1 : i32
    %dma_wait3A_63 = arith.constant 1 : i32
    %dma_wait3A_64 = arith.constant 0 : i32
    %dma_wait3A_65 = arith.constant 0 : i32
    %dma_wait3A_66 = tpu.memref_slice %arg6[%dma_wait3A_62, %dma_wait3A_64, %dma_wait3A_65] : memref<2x56x1024xf32, #tpu.memory_space<vmem>> -> memref<1x56x1024xf32, #tpu.memory_space<vmem>>
    %dma_wait3A_67 = tpu.memref_squeeze %dma_wait3A_66 : memref<1x56x1024xf32, #tpu.memory_space<vmem>> -> memref<56x1024xf32, #tpu.memory_space<vmem>>
    %dma_wait3A_68 = arith.constant 0 : i32
    %dma_wait3A_69 = arith.constant 0 : i32
    %dma_wait3A_70 = tpu.memref_slice %arg4[%add3A_61, %dma_wait3A_68, %dma_wait3A_69] : memref<1024x56x1024xf32, #tpu.memory_space<hbm>> -> memref<1x56x1024xf32, #tpu.memory_space<hbm>>
    %dma_wait3A_71 = tpu.memref_squeeze %dma_wait3A_70 : memref<1x56x1024xf32, #tpu.memory_space<hbm>> -> memref<56x1024xf32, #tpu.memory_space<hbm>>
    %dma_wait3A_72 = tpu.memref_slice %arg8[%dma_wait3A_63] : memref<2x!tpu.dma_semaphore, #tpu.memory_space<semaphore_mem>> -> memref<1x!tpu.dma_semaphore, #tpu.memory_space<semaphore_mem>>
    %dma_wait3A_73 = tpu.memref_squeeze %dma_wait3A_72 : memref<1x!tpu.dma_semaphore, #tpu.memory_space<semaphore_mem>> -> memref<!tpu.dma_semaphore, #tpu.memory_space<semaphore_mem>>
    %dma_wait3A_74 = arith.constant 0 : i32
    %dma_wait3A_75 = arith.constant 0 : i32
    %dma_wait3A_76 = tpu.memref_slice %arg4[%add3A_61, %dma_wait3A_74, %dma_wait3A_75] : memref<1024x56x1024xf32, #tpu.memory_space<hbm>> -> memref<1x56x1024xf32, #tpu.memory_space<hbm>>
    %dma_wait3A_77 = tpu.memref_squeeze %dma_wait3A_76 : memref<1x56x1024xf32, #tpu.memory_space<hbm>> -> memref<56x1024xf32, #tpu.memory_space<hbm>>
    %dma_wait3A_78 = arith.constant 0 : i32
    %dma_wait3A_79 = arith.constant 0 : i32
    %dma_wait3A_80 = tpu.memref_slice %arg6[%dma_wait3A_62, %dma_wait3A_78, %dma_wait3A_79] : memref<2x56x1024xf32, #tpu.memory_space<vmem>> -> memref<1x56x1024xf32, #tpu.memory_space<vmem>>
    %dma_wait3A_81 = tpu.memref_squeeze %dma_wait3A_80 : memref<1x56x1024xf32, #tpu.memory_space<vmem>> -> memref<56x1024xf32, #tpu.memory_space<vmem>>
    tpu.wait_dma2 semaphore(%dma_wait3A_73 : memref<!tpu.dma_semaphore, #tpu.memory_space<semaphore_mem>>) src(%dma_wait3A_81 : memref<56x1024xf32, #tpu.memory_space<vmem>>) dst(%dma_wait3A_77 : memref<56x1024xf32, #tpu.memory_space<hbm>>)
    return
  }
}

</mosaic_0001>

<sc_bundles>
// kernel: kernel.3.cloned.1.call-start
scs
__scs_entry_jumppad:
0x0: {  	(pc) =	sbr.rel $0x88, $3  }
0x1: {  	(tag) =	ssettag $0x0;
	lr =	simm.s32 $0x1  }
0x2: {  	[smem:$0x3F9F] =	sst lr;
	_ =	strace $0xD0000000  }
0x3: {  	_ = 	snop  }
0x4: {  	_ = 	snop  }
0x5: {  	_ = 	snop  }
0x6: {  	_ = 	snop  }
0x7: {  	_ = 	snop  }
__scs_overlays_trampoline_lowered:
0x8: {  	[smem:$0x3FAE] =	sst s0  }
0x9: {  	[smem:$0x3FAF] =	sst s1  }
0xa: {  	[smem:$0x3FB0] =	sst s2  }
0xb: {  	[smem:$0x3FB1] =	sst s3  }
0xc: {  	[smem:$0x3FB2] =	sst s4  }
0xd: {  	[smem:$0x3FB3] =	sst s5  }
0xe: {  	[smem:$0x3FB4] =	sst s6  }
0xf: {  	[smem:$0x3FB5] =	sst s7  }
0x10: {  	[smem:$0x3FB6] =	sst s8  }
0x11: {  	[smem:$0x3FB7] =	sst s9;
	s0 =	simm.s32 @!p0 $0x0  }
0x12: {  	s1 =	sld [smem:$0x3F9D];
	s0 =	simm.s32 @p0 $0x1  }
0x13: {  	[smem:$0x3FB8] =	sst s0;
	s0 =	simm.s32 @!p1 $0x0  }
0x14: {  	s2 =	sld [smem:$0x3F9C];
	s0 =	simm.s32 @p1 $0x1  }
0x15: {  	[smem:$0x3FB9] =	sst s0;
	s0 =	simm.s32 @!p2 $0x0  }
0x16: {  	s3 =	sld [smem:$0x3FDB];
	s0 =	simm.s32 @p2 $0x1  }
0x17: {  	s4 =	simm.s32 $0x1BF5;
	[smem:$0x3FBB] =	sst s0  }
0x18: {  	s0 =	sld [smem:$0x3F9E];
	_ =	swait.ge [sflag:s4], $0x0  }
0x19: {  	s7 =	sld [smem:$0x3F9F]  }
0x1a: {  	s8 =	sadd.s32 $0xFFFFE003, lr  }
0x1b: {  	s9 =	sadd.s32 $0xFFFFFEF7, lr;
	s5 =	simm.s32 $0xFFFFFFFF;
	p2 =	slt.u32 s8, $0xFFFFF086  }
0x1c: {  	p1 =	slt.u32 s9, $0xF7A;
	s5 =	simm.s32 @!p2 $0x0  }
0x1d: {  	s5 =	simm.s32 @p1 $0x1;
	p0 =	seq.s32 s7, s2  }
0x1e: {  	s7 =	smul.u32 @!p0 $0xF7A, s2;
	p2 =	seq.s32 @!p0 s5, $0x0  }
0x1f: {  	s9 =	smul.u32 $0xF7A, s1;
	s8 =	simm.s32 @!p0 $0x1BF5;
	p2 =	por !p2, p0  }
0x20: {  	[sflag:s8] =	ssyncset.s32 @!p0 $0xFFFFF086;
	s6 =	sadd.s32 @!p0 s3, s7;
	s7 =	simm.s32 @!p0 $0x108  }
0x21: {  	s3 =	sadd.s32 s3, s9;
	s6 =	sadd.s32 @!p0 $0x88, s6;
	s7 =	simm.s32 @p2 $0x1082  }
0x22: {  	[simem:s7], [sflag:s8] =	dma.local @!p0 [hbm:s6], $0xF7A  }
0x23: {  	s9 =	sor.u32 $0xD0000000, s2;
	s6 =	simm.s32 $0x108;
	_ =	swait.ge @!p0 [sflag:s8], $0x0  }
0x24: {  	s3 =	sadd.s32 $0x88, s3;
	s6 =	simm.s32 @!p1 $0x1082;
	[sflag:s4] =	ssyncset.s32 $0xFFFFF086  }
0x25: {  	[simem:s6], [sflag:s4] =	dma.local [hbm:s3], $0xF7A  }
0x26: {  	[smem:$0x3F9F] =	sst s1;
	(tag) =	ssettag s2;
	_ =	strace s9  }
0x27: {  	s1 =	sld [smem:$0x3FAF]  }
0x28: {  	s2 =	sld [smem:$0x3FB0]  }
0x29: {  	s4 =	sld [smem:$0x3FB2]  }
0x2a: {  	p0 =	seq.s32 s5, $0x0;
	s5 =	sld [smem:$0x3FB3]  }
0x2b: {  	s6 =	sld [smem:$0x3FB4]  }
0x2c: {  	s7 =	sld [smem:$0x3FB5]  }
0x2d: {  	s3 =	simm.s32 $0x108;
	s8 =	sld [smem:$0x3FB6]  }
0x2e: {  	s3 =	simm.s32 @!p0 $0x1082;
	s9 =	sld [smem:$0x3FB7]  }
0x2f: {  	lr =	sadd.s32 s0, s3;
	s0 =	sld [smem:$0x3FAE]  }
0x30: {  	s3 =	sld [smem:$0x3FB1]  }
0x31: {  	[smem:$0x3FBA] =	sst s10  }
0x32: {  	s10 =	sld [smem:$0x3FB8];
	_ =	sdelay $0x3  }
0x33: {  	p0 =	seq.s32 s10, $0x1;
	s10 =	sld [smem:$0x3FBA];
	_ =	sdelay $0x3  }
0x34: {  	[smem:$0x3FBA] =	sst s10  }
0x35: {  	s10 =	sld [smem:$0x3FB9];
	_ =	sdelay $0x3  }
0x36: {  	p1 =	seq.s32 s10, $0x1;
	s10 =	sld [smem:$0x3FBA];
	_ =	sdelay $0x3  }
0x37: {  	[smem:$0x3FBA] =	sst s10  }
0x38: {  	s10 =	sld [smem:$0x3FBB]  }
0x39: {  	_ = 	snop;
	(pc) =	sbr.ind lr, $3  }
0x3a: {  	_ = 	snop  }
0x3b: {  	_ = 	snop  }
0x3c: {  	p2 =	seq.s32 s10, $0x1;
	s10 =	sld [smem:$0x3FBA]  }
0x3d: {  	_ =	shalt  }
0x3e: {  	_ =	shalt  }
0x3f: {  	_ =	shalt  }
0x40: {  	_ =	shalt  }
0x41: {  	_ =	shalt  }
0x42: {  	_ =	shalt  }
0x43: {  	_ =	shalt  }
0x44: {  	_ =	shalt  }
0x45: {  	_ =	shalt  }
0x46: {  	_ =	shalt  }
0x47: {  	_ =	shalt  }
0x48: {  	_ =	shalt  }
0x49: {  	_ =	shalt  }
0x4a: {  	_ =	shalt  }
0x4b: {  	_ =	shalt  }
0x4c: {  	_ =	shalt  }
0x4d: {  	_ =	shalt  }
0x4e: {  	_ =	shalt  }
0x4f: {  	_ =	shalt  }
0x50: {  	_ =	shalt  }
0x51: {  	_ =	shalt  }
0x52: {  	_ =	shalt  }
0x53: {  	_ =	shalt  }
0x54: {  	_ =	shalt  }
0x55: {  	_ =	shalt  }
0x56: {  	_ =	shalt  }
0x57: {  	_ =	shalt  }
0x58: {  	_ =	shalt  }
0x59: {  	_ =	shalt  }
0x5a: {  	_ =	shalt  }
0x5b: {  	_ =	shalt  }
0x5c: {  	_ =	shalt  }
0x5d: {  	_ =	shalt  }
0x5e: {  	_ =	shalt  }
0x5f: {  	_ =	shalt  }
0x60: {  	_ =	shalt  }
0x61: {  	_ =	shalt  }
0x62: {  	_ =	shalt  }
0x63: {  	_ =	shalt  }
0x64: {  	_ =	shalt  }
0x65: {  	_ =	shalt  }
0x66: {  	_ =	shalt  }
0x67: {  	_ =	shalt  }
0x68: {  	_ =	shalt  }
0x69: {  	_ =	shalt  }
0x6a: {  	_ =	shalt  }
0x6b: {  	_ =	shalt  }
0x6c: {  	_ =	shalt  }
0x6d: {  	_ =	shalt  }
0x6e: {  	_ =	shalt  }
0x6f: {  	_ =	shalt  }
0x70: {  	_ =	shalt  }
0x71: {  	_ =	shalt  }
0x72: {  	_ =	shalt  }
0x73: {  	_ =	shalt  }
0x74: {  	_ =	shalt  }
0x75: {  	_ =	shalt  }
0x76: {  	_ =	shalt  }
0x77: {  	_ =	shalt  }
0x78: {  	_ =	shalt  }
0x79: {  	_ =	shalt  }
0x7a: {  	_ =	shalt  }
0x7b: {  	_ =	shalt  }
0x7c: {  	_ =	shalt  }
0x7d: {  	_ =	shalt  }
0x7e: {  	_ =	shalt  }
0x7f: {  	_ =	shalt  }
0x80: {  	_ =	shalt  }
0x81: {  	_ =	shalt  }
0x82: {  	_ =	shalt  }
0x83: {  	_ =	shalt  }
0x84: {  	_ =	shalt  }
0x85: {  	_ =	shalt  }
0x86: {  	_ =	shalt  }
0x87: {  	_ =	shalt  }
.Lfunc_end0:
.L_simem_size_0:
called_computation.1_lowered:
.L_overlay_start_0:
0x88: {  	s2 =	sld [smem:$0x3FD9]  }
0x89: {  	s3 =	sld [smem:$0x3FFE];
	_ =	sdelay $0x1  }
0x8a: {  	s1 =	srdreg.scid  }
0x8b: {  	s0 =	sand.u32 $0x1, s1  }
0x8c: {  	s17 =	sshll.u32 s0, $0xA;
	s2 =	sadd.s32 s3, s2  }
0x8d: {  	s2 =	sadd.s32 s2, s17  }
0x8e: {  	[smem:$0x3FC6] =	sst s2  }
0x8f: {  	_ = 	snop  }
0x90: {  	s2 =	sld [smem:$0x3FD0];
	(tm) =	ssettm $0x1  }
0x91: {  	s18 =	sld [smem:$0x3FFB];
	_ =	sdelay $0x3  }
0x92: {  	_ =	strace s18  }
0x93: {  	s3 =	sld [smem:$0x3FFC];
	_ =	sdelay $0x3  }
0x94: {  	_ =	strace s3  }
0x95: {  	s3 =	sld [smem:$0x3FFD];
	_ =	sdelay $0x3  }
0x96: {  	_ =	strace s3  }
0x97: {  	_ =	strace $0x8FFFFFFF  }
0x98: {  	s19 =	sld [smem:$0x3FDB];
	_ =	sdelay $0x1  }
0x99: {  	s4 =	simm.s32 $_scs_section_size  }
0x9a: {  	s5 =	simm.s32 $_size__tile_overlayer_lowered;
	s6 =	simm.s32 $_tile_overlayer_lowered  }
0x9b: {  	s22 =	simm.s32 $0x1BFF;
	s21 =	sshll.u32 s6, $0x1;
	s3 =	sadd.s32 s4, s19  }
0x9c: {  	s7 =	simm.s32 $0x0;
	s20 =	sshll.u32 s5, $0x1;
	s5 =	sadd.s32 s21, s3  }
0x9d: {  	[timem:s7], [sflag:s22] =	dma.local [hbm:s5], s20  }
0x9e: {  	_ =	swait.ge [sflag:s22], s20  }
0x9f: {  	s4 =	ssub.s32 $0x0, s20;
	[sflag:s22] =	ssyncset.done $0x0  }
0xa0: {  	[sflag:s22] =	ssyncadd.s32 s4;
	_ =	sdelay $0x1  }
0xa1: {  	s23 =	simm.s32 $0x1B8B  }
0xa2: {  	_ =	swait.ge [sflag:s23], $0x1  }
0xa3: {  	[sflag:s23] =	ssyncset.done $0x0  }
0xa4: {  	s25 =	simm.s32 $0x1B8E;
	s24 =	sld [smem:$0x3FFE];
	[sflag:s23] =	ssyncadd.s32 $0xFFFFFFFF  }
0xa5: {  	s26 =	simm.s32 $execute0_lowered;
	[smem:$0x3FD2] =	sst s25  }
0xa6: {  	s5 =	sshll.u32 s26, $0x1;
	_ =	strace $0x80000046;
	[dreg:$0x1] =	wrdreg $0xFFFFFFFF  }
0xa7: {  	s28 =	simm.s32 $_size_execute0_lowered;
	s3 =	sadd.s32 s3, s5;
	[dreg:$0x0] =	wrdreg $0x0  }
0xa8: {  	s5 =	sshll.u32 s28, $0x1;
	[dreg:$0x2] =	wrdreg s3  }
0xa9: {  	[dreg:$0x3] =	wrdreg s5  }
0xaa: {  	[dreg:$0x4] =	wrdreg $0xC0  }
0xab: {  	_ =	task [dreg:s7], $0x5FFFF  }
0xac: {  	[dreg:$0x1] =	wrdreg $0xFFFFFFFF  }
0xad: {  	[dreg:$0x0] =	wrdreg $0x60  }
0xae: {  	[dreg:$0x2] =	wrdreg s2  }
0xaf: {  	[dreg:$0x3] =	wrdreg s24  }
0xb0: {  	[dreg:$0x4] =	wrdreg $0x9  }
0xb1: {  	_ =	task.clear_ibuf [dreg:s7], $0x5FFFF;
	_ =	strace $0x90000046  }
0xb2: {  	s29 =	simm.s32 $0x9;
	_ =	strace $0x80000048  }
0xb3: {  	_ =	swait.ge [sflag:s29], $0x1  }
0xb4: {  	[sflag:s29] =	ssyncadd.s32 $0xFFFFFFFF  }
0xb5: {  	_ =	strace $0x90000048  }
0xb6: {  	_ =	sfence  }
0xb7: {  	s30 =	sld [smem:$0x0];
	_ =	sdelay $0x2  }
0xb8: {  	s31 =	sshll.u32 s1, $0xD;
	s1 =	sshrl.u32 s1, $0x2  }
0xb9: {  	s3 =	sand.u32 $0x4000, s31;
	s1 =	sadd.s32 s1, s30  }
0xba: {  	s0 =	sor.u32 s3, s0;
	s1 =	sshll.u32 s1, $0x11  }
0xbb: {  	s0 =	sor.u32 s1, s0  }
0xbc: {  	s0 =	sadd.s32 $0x8F2B, s0  }
0xbd: {  	[sflag:s0] =	ssyncadd.remote.s32 $0x1  }
0xbe: {  	_ =	sfence.sel $0xFFFF  }
0xbf: {  	[dreg:$0x0] =	wrdreg $0xFFFFFFFF;
	(pc) =	sbr.abs _section_cstart, $3  }
0xc0: {  	[dreg:$0x1] =	wrdreg $0xFFFFFFFF  }
0xc1: {  	_ =	task.clear_ibuf [dreg:s7], $0x2FFFF;
	_ =	strace $0x9FFFFFFF  }
0xc2: {  	(tm) =	ssettm $0x7FFFFFFF  }
0xc3: {  	_ =	shalt  }
tec
execute0_lowered:
.L_overlay_start_1:
0x0: {  	(tag) =	ssettag $0x1  }
0x1: {  	s1 =	rddreg [dreg:$0x0]  }
0x2: {  	s0 =	rddreg [dreg:$0x1];
	s3 =	simm.s32 $0x0  }
0x3: {  	s2 =	srdreg.scid;
	s6 =	stileid.u32;
	s10 =	simm.s32 $0x5  }
0x4: {  	s11 =	simm.s32 $0x16800;
	s12 =	simm.s32 $0x17000;
	s13 =	simm.s32 $0x17800  }
0x5: {  	s14 =	simm.s32 $0x18000;
	s15 =	simm.s32 $0x18800;
	s16 =	simm.s32 $0x19000  }
0x6: {  	s17 =	simm.s32 $0x19800;
	s18 =	simm.s32 $0x1A000;
	s19 =	simm.s32 $0x1A800  }
0x7: {  	s20 =	simm.s32 $0x1B000;
	s21 =	simm.s32 $0x1B800;
	s22 =	simm.s32 $0x1C000  }
0x8: {  	s23 =	simm.s32 $0x3;
	s24 =	simm.s32 $0x4;
	s25 =	simm.s32 $0x0  }
0x9: {  	[smem:$0x7FF] =	sst s3;
	s2 =	sand.u32 $0x1, s2;
	s4 =	sshll.u32 s6, $0x9  }
0xa: {  	s30 =	smul.u32 $0x70000, s6;
	s6 =	sadd.s32 $0x200, s1;
	_ =	strace $0x80000047  }
.Ltmp0:
0xb: {  	s5 =	sshll.u32 s2, $0x8;
	s31 =	ssub.s32 $0x2, s2;
	(pc) =	sbr.rel .LBB2_1-.Ltmp0, $4  }
0xc: {  	s2 =	smul.u32 $0x38000, s2;
	s4 =	sor.u32 s5, s4;
	s7 =	sshrl.u32 s31, $0x1  }
0xd: {  	v2 =	vlaneseq.u32;
	s5 =	sadd.s32 $0x100, s1;
	s4 =	sadd.s32 s4, s0;
	s0 =	sadd.s32 s30, s0  }
0xe: {  	vm0 =	vmmov $0xffff;
	v1 =	vshrl.u32 v2, $0x3;
	s8 =	ssub.s32 s31, s7;
	s7 =	sadd.s32 $0x300, s1;
	s0 =	sadd.s32 s2, s0  }
0xf: {  	v0 =	vand.u32 $0x7, v2;
	v2 =	vor.u32 $0x8, v2;
	v1 =	vmul.u32 $0x8, v1;
	s4 =	sadd.s32 $0x800, s4;
	s8 =	smax.u32 s8, $0x1;
	s28 =	sadd.s32 $0x2800, s0  }
.LBB2_5:
0x10: {  	s25 =	sadd.s32 $0x1, s25  }
0x11: {  	_ =	swait.ge [sflag:s23], $0xE000;
	p0 =	sne.s32 s25, s8  }
.Ltmp1:
0x12: {  	[sflag:s23] =	ssyncset.done $0x0;
	(pc) =	sbr.rel @!p0 .LBB2_6-.Ltmp1, $4  }
0x13: {  	[sflag:s23] =	ssyncadd.s32 $0xFFFF2000  }
0x14: {  	_ =	swait.ge [sflag:s24], $0xE000  }
0x15: {  	[sflag:s24] =	ssyncset.done $0x0  }
0x16: {  	[sflag:s24] =	ssyncadd.s32 $0xFFFF2000  }
.LBB2_1:
0x17: {  	[tilespmem:s3], [sflag:$0x5] =	stream.linear.gather [hbm4b:s4+s3], $0x800, $0x38;
	[tilespmem:$0x1C800] =	vst v63  }
0x18: {  	_ =	swait.ge [sflag:s10], $0x800  }
0x19: {  	[sflag:s10] =	ssyncset.done $0x0  }
0x1a: {  	[sflag:s10] =	ssyncadd.s32 $0xFFFFF800  }
0x1b: {  	v3 =	vld [tilespmem:$0x0];
	_ =	sdelay $0x4  }
0x1c: {  	v4 =	vshll.u32 v3, $0x3  }
0x1d: {  	v3 =	vand.u32 $0x7, v3;
	v4 =	vand.u32 $0xFFFFFFC0, v4  }
0x1e: {  	v3 =	vor.u32 v3, v4  }
0x1f: {  	v4 =	vperm.xlane v3, v0;
	_ =	sdelay $0x1  }
0x20: {  	v4 =	vadd.s32 v1, v4;
	_ =	sdelay $0x3  }
0x21: {  	s0 =	simm.s32 $0x800  }
0x22: {  	[tilespmem:s0], [sflag:$0x1] =	stream.indirect_vreg.gather [hbm4b:s1+s3], $0x80, v4, vm0, $0xb8;
	[tilespmem:$0x1C800] =	vst v63  }
0x23: {  	s26 =	simm.s32 $0x1000;
	v3 =	vperm.xlane v3, v2  }
0x24: {  	[tilespmem:s26], [sflag:$0x1] =	stream.indirect_vreg.gather [hbm4b:s5+s3], $0x80, v4, vm0, $0xb8;
	[tilespmem:$0x1C800] =	vst v63  }
0x25: {  	s30 =	simm.s32 $0x1800;
	v3 =	vadd.s32 v1, v3  }
0x26: {  	[tilespmem:s30], [sflag:$0x1] =	stream.indirect_vreg.gather [hbm4b:s6+s3], $0x80, v4, vm0, $0xb8;
	[tilespmem:$0x1C800] =	vst v63  }
0x27: {  	s31 =	simm.s32 $0x2000  }
0x28: {  	[tilespmem:s31], [sflag:$0x1] =	stream.indirect_vreg.gather [hbm4b:s7+s3], $0x80, v4, vm0, $0xb8;
	[tilespmem:$0x1C800] =	vst v63  }
0x29: {  	s2 =	simm.s32 $0x2800  }
0x2a: {  	[tilespmem:s2], [sflag:$0x1] =	stream.indirect_vreg.gather [hbm4b:s1+s3], $0x80, v3, vm0, $0xb8;
	[tilespmem:$0x1C800] =	vst v63  }
0x2b: {  	s9 =	simm.s32 $0x3000  }
0x2c: {  	[tilespmem:s9], [sflag:$0x1] =	stream.indirect_vreg.gather [hbm4b:s5+s3], $0x80, v3, vm0, $0xb8;
	[tilespmem:$0x1C800] =	vst v63  }
0x2d: {  	s26 =	simm.s32 $0x3800  }
0x2e: {  	[tilespmem:s26], [sflag:$0x1] =	stream.indirect_vreg.gather [hbm4b:s6+s3], $0x80, v3, vm0, $0xb8;
	[tilespmem:$0x1C800] =	vst v63  }
0x2f: {  	s30 =	simm.s32 $0x4000  }
0x30: {  	[tilespmem:s30], [sflag:$0x1] =	stream.indirect_vreg.gather [hbm4b:s7+s3], $0x80, v3, vm0, $0xb8;
	[tilespmem:$0x1C800] =	vst v63  }
0x31: {  	v3 =	vld [tilespmem:$0x10];
	_ =	sdelay $0x4  }
0x32: {  	v57 =	vshll.u32 v3, $0x3  }
0x33: {  	v3 =	vand.u32 $0x7, v3;
	v4 =	vand.u32 $0xFFFFFFC0, v57  }
0x34: {  	v3 =	vor.u32 v3, v4  }
0x35: {  	v4 =	vperm.xlane v3, v0;
	_ =	sdelay $0x1  }
0x36: {  	v4 =	vadd.s32 v1, v4;
	_ =	sdelay $0x3  }
0x37: {  	s31 =	simm.s32 $0x4800  }
0x38: {  	[tilespmem:s31], [sflag:$0x1] =	stream.indirect_vreg.gather [hbm4b:s1+s3], $0x80, v4, vm0, $0xb8;
	[tilespmem:$0x1C800] =	vst v63  }
0x39: {  	s2 =	simm.s32 $0x5000;
	v3 =	vperm.xlane v3, v2  }
0x3a: {  	[tilespmem:s2], [sflag:$0x1] =	stream.indirect_vreg.gather [hbm4b:s5+s3], $0x80, v4, vm0, $0xb8;
	[tilespmem:$0x1C800] =	vst v63  }
0x3b: {  	s9 =	simm.s32 $0x5800;
	v3 =	vadd.s32 v1, v3  }
0x3c: {  	[tilespmem:s9], [sflag:$0x1] =	stream.indirect_vreg.gather [hbm4b:s6+s3], $0x80, v4, vm0, $0xb8;
	[tilespmem:$0x1C800] =	vst v63  }
0x3d: {  	s26 =	simm.s32 $0x6000  }
0x3e: {  	[tilespmem:s26], [sflag:$0x1] =	stream.indirect_vreg.gather [hbm4b:s7+s3], $0x80, v4, vm0, $0xb8;
	[tilespmem:$0x1C800] =	vst v63  }
0x3f: {  	s30 =	simm.s32 $0x6800  }
0x40: {  	[tilespmem:s30], [sflag:$0x1] =	stream.indirect_vreg.gather [hbm4b:s1+s3], $0x80, v3, vm0, $0xb8;
	[tilespmem:$0x1C800] =	vst v63  }
0x41: {  	s31 =	simm.s32 $0x7000  }
0x42: {  	[tilespmem:s31], [sflag:$0x1] =	stream.indirect_vreg.gather [hbm4b:s5+s3], $0x80, v3, vm0, $0xb8;
	[tilespmem:$0x1C800] =	vst v63  }
0x43: {  	s2 =	simm.s32 $0x7800  }
0x44: {  	[tilespmem:s2], [sflag:$0x1] =	stream.indirect_vreg.gather [hbm4b:s6+s3], $0x80, v3, vm0, $0xb8;
	[tilespmem:$0x1C800] =	vst v63  }
0x45: {  	s9 =	simm.s32 $0x8000  }
0x46: {  	[tilespmem:s9], [sflag:$0x1] =	stream.indirect_vreg.gather [hbm4b:s7+s3], $0x80, v3, vm0, $0xb8;
	[tilespmem:$0x1C800] =	vst v63  }
0x47: {  	v3 =	vld [tilespmem:$0x20];
	_ =	sdelay $0x4  }
0x48: {  	v58 =	vshll.u32 v3, $0x3  }
0x49: {  	v3 =	vand.u32 $0x7, v3;
	v4 =	vand.u32 $0xFFFFFFC0, v58  }
0x4a: {  	v3 =	vor.u32 v3, v4  }
0x4b: {  	v4 =	vperm.xlane v3, v0;
	_ =	sdelay $0x1  }
0x4c: {  	v4 =	vadd.s32 v1, v4;
	_ =	sdelay $0x3  }
0x4d: {  	s26 =	simm.s32 $0x8800  }
0x4e: {  	[tilespmem:s26], [sflag:$0x1] =	stream.indirect_vreg.gather [hbm4b:s1+s3], $0x80, v4, vm0, $0xb8;
	[tilespmem:$0x1C800] =	vst v63  }
0x4f: {  	s30 =	simm.s32 $0x9000;
	v3 =	vperm.xlane v3, v2  }
0x50: {  	[tilespmem:s30], [sflag:$0x1] =	stream.indirect_vreg.gather [hbm4b:s5+s3], $0x80, v4, vm0, $0xb8;
	[tilespmem:$0x1C800] =	vst v63  }
0x51: {  	s31 =	simm.s32 $0x9800;
	v3 =	vadd.s32 v1, v3  }
0x52: {  	[tilespmem:s31], [sflag:$0x1] =	stream.indirect_vreg.gather [hbm4b:s6+s3], $0x80, v4, vm0, $0xb8;
	[tilespmem:$0x1C800] =	vst v63  }
0x53: {  	s2 =	simm.s32 $0xA000  }
0x54: {  	[tilespmem:s2], [sflag:$0x1] =	stream.indirect_vreg.gather [hbm4b:s7+s3], $0x80, v4, vm0, $0xb8;
	[tilespmem:$0x1C800] =	vst v63  }
0x55: {  	s9 =	simm.s32 $0xA800  }
0x56: {  	[tilespmem:s9], [sflag:$0x1] =	stream.indirect_vreg.gather [hbm4b:s1+s3], $0x80, v3, vm0, $0xb8;
	[tilespmem:$0x1C800] =	vst v63  }
0x57: {  	s26 =	simm.s32 $0xB000  }
0x58: {  	[tilespmem:s26], [sflag:$0x1] =	stream.indirect_vreg.gather [hbm4b:s5+s3], $0x80, v3, vm0, $0xb8;
	[tilespmem:$0x1C800] =	vst v63  }
0x59: {  	s30 =	simm.s32 $0xB800  }
0x5a: {  	[tilespmem:s30], [sflag:$0x1] =	stream.indirect_vreg.gather [hbm4b:s6+s3], $0x80, v3, vm0, $0xb8;
	[tilespmem:$0x1C800] =	vst v63  }
0x5b: {  	s31 =	simm.s32 $0xC000  }
0x5c: {  	[tilespmem:s31], [sflag:$0x1] =	stream.indirect_vreg.gather [hbm4b:s7+s3], $0x80, v3, vm0, $0xb8;
	[tilespmem:$0x1C800] =	vst v63  }
0x5d: {  	v3 =	vld.msk [tilespmem:$0x30], $0xff;
	_ =	sdelay $0x4  }
0x5e: {  	v59 =	vshll.u32 v3, $0x3  }
0x5f: {  	v3 =	vand.u32 $0x7, v3;
	v4 =	vand.u32 $0xFFFFFFC0, v59  }
0x60: {  	v3 =	vor.u32 v3, v4  }
0x61: {  	v3 =	vperm.xlane v3, v0;
	_ =	sdelay $0x1  }
0x62: {  	v3 =	vadd.s32 v1, v3;
	_ =	sdelay $0x3  }
0x63: {  	s2 =	simm.s32 $0xC800  }
0x64: {  	[tilespmem:s2], [sflag:$0x1] =	stream.indirect_vreg.gather [hbm4b:s1+s3], $0x80, v3, vm0, $0xb8;
	[tilespmem:$0x1C800] =	vst v63  }
0x65: {  	s9 =	simm.s32 $0xD000  }
0x66: {  	[tilespmem:s9], [sflag:$0x1] =	stream.indirect_vreg.gather [hbm4b:s5+s3], $0x80, v3, vm0, $0xb8;
	[tilespmem:$0x1C800] =	vst v63  }
0x67: {  	s26 =	simm.s32 $0xD800  }
0x68: {  	[tilespmem:s26], [sflag:$0x1] =	stream.indirect_vreg.gather [hbm4b:s6+s3], $0x80, v3, vm0, $0xb8;
	[tilespmem:$0x1C800] =	vst v63  }
0x69: {  	s30 =	simm.s32 $0xE000  }
0x6a: {  	[tilespmem:s30], [sflag:$0x1] =	stream.indirect_vreg.gather [hbm4b:s7+s3], $0x80, v3, vm0, $0xb8;
	[tilespmem:$0x1C800] =	vst v63  }
0x6b: {  	v3 =	vld [tilespmem:$0x40];
	_ =	sdelay $0x4  }
0x6c: {  	v60 =	vshll.u32 v3, $0x3  }
0x6d: {  	v3 =	vand.u32 $0x7, v3;
	v4 =	vand.u32 $0xFFFFFFC0, v60  }
0x6e: {  	v3 =	vor.u32 v3, v4  }
0x6f: {  	v4 =	vperm.xlane v3, v0;
	_ =	sdelay $0x1  }
0x70: {  	v4 =	vadd.s32 v1, v4;
	_ =	sdelay $0x3  }
0x71: {  	s31 =	simm.s32 $0xE800  }
0x72: {  	[tilespmem:s31], [sflag:$0x2] =	stream.indirect_vreg.gather [hbm4b:s1+s3], $0x80, v4, vm0, $0xb8;
	[tilespmem:$0x1C800] =	vst v63  }
0x73: {  	s2 =	simm.s32 $0xF000;
	v3 =	vperm.xlane v3, v2  }
0x74: {  	[tilespmem:s2], [sflag:$0x2] =	stream.indirect_vreg.gather [hbm4b:s5+s3], $0x80, v4, vm0, $0xb8;
	[tilespmem:$0x1C800] =	vst v63  }
0x75: {  	s9 =	simm.s32 $0xF800;
	v3 =	vadd.s32 v1, v3  }
0x76: {  	[tilespmem:s9], [sflag:$0x2] =	stream.indirect_vreg.gather [hbm4b:s6+s3], $0x80, v4, vm0, $0xb8;
	[tilespmem:$0x1C800] =	vst v63  }
0x77: {  	s26 =	simm.s32 $0x10000  }
0x78: {  	[tilespmem:s26], [sflag:$0x2] =	stream.indirect_vreg.gather [hbm4b:s7+s3], $0x80, v4, vm0, $0xb8;
	[tilespmem:$0x1C800] =	vst v63  }
0x79: {  	s30 =	simm.s32 $0x10800  }
0x7a: {  	[tilespmem:s30], [sflag:$0x2] =	stream.indirect_vreg.gather [hbm4b:s1+s3], $0x80, v3, vm0, $0xb8;
	[tilespmem:$0x1C800] =	vst v63  }
0x7b: {  	s31 =	simm.s32 $0x11000  }
0x7c: {  	[tilespmem:s31], [sflag:$0x2] =	stream.indirect_vreg.gather [hbm4b:s5+s3], $0x80, v3, vm0, $0xb8;
	[tilespmem:$0x1C800] =	vst v63  }
0x7d: {  	s2 =	simm.s32 $0x11800  }
0x7e: {  	[tilespmem:s2], [sflag:$0x2] =	stream.indirect_vreg.gather [hbm4b:s6+s3], $0x80, v3, vm0, $0xb8;
	[tilespmem:$0x1C800] =	vst v63  }
0x7f: {  	s9 =	simm.s32 $0x12000  }
0x80: {  	[tilespmem:s9], [sflag:$0x2] =	stream.indirect_vreg.gather [hbm4b:s7+s3], $0x80, v3, vm0, $0xb8;
	[tilespmem:$0x1C800] =	vst v63  }
0x81: {  	v3 =	vld [tilespmem:$0x50];
	_ =	sdelay $0x4  }
0x82: {  	v61 =	vshll.u32 v3, $0x3  }
0x83: {  	v3 =	vand.u32 $0x7, v3;
	v4 =	vand.u32 $0xFFFFFFC0, v61  }
0x84: {  	v3 =	vor.u32 v3, v4  }
0x85: {  	v4 =	vperm.xlane v3, v0;
	_ =	sdelay $0x1  }
0x86: {  	v4 =	vadd.s32 v1, v4;
	_ =	sdelay $0x3  }
0x87: {  	s26 =	simm.s32 $0x12800  }
0x88: {  	[tilespmem:s26], [sflag:$0x2] =	stream.indirect_vreg.gather [hbm4b:s1+s3], $0x80, v4, vm0, $0xb8;
	[tilespmem:$0x1C800] =	vst v63  }
0x89: {  	s30 =	simm.s32 $0x13000;
	v3 =	vperm.xlane v3, v2  }
0x8a: {  	[tilespmem:s30], [sflag:$0x2] =	stream.indirect_vreg.gather [hbm4b:s5+s3], $0x80, v4, vm0, $0xb8;
	[tilespmem:$0x1C800] =	vst v63  }
0x8b: {  	s31 =	simm.s32 $0x13800;
	v3 =	vadd.s32 v1, v3  }
0x8c: {  	[tilespmem:s31], [sflag:$0x2] =	stream.indirect_vreg.gather [hbm4b:s6+s3], $0x80, v4, vm0, $0xb8;
	[tilespmem:$0x1C800] =	vst v63  }
0x8d: {  	s2 =	simm.s32 $0x14000  }
0x8e: {  	[tilespmem:s2], [sflag:$0x2] =	stream.indirect_vreg.gather [hbm4b:s7+s3], $0x80, v4, vm0, $0xb8;
	[tilespmem:$0x1C800] =	vst v63  }
0x8f: {  	s9 =	simm.s32 $0x14800  }
0x90: {  	[tilespmem:s9], [sflag:$0x2] =	stream.indirect_vreg.gather [hbm4b:s1+s3], $0x80, v3, vm0, $0xb8;
	[tilespmem:$0x1C800] =	vst v63  }
0x91: {  	s26 =	simm.s32 $0x15000  }
0x92: {  	[tilespmem:s26], [sflag:$0x2] =	stream.indirect_vreg.gather [hbm4b:s5+s3], $0x80, v3, vm0, $0xb8;
	[tilespmem:$0x1C800] =	vst v63  }
0x93: {  	s30 =	simm.s32 $0x15800  }
0x94: {  	[tilespmem:s30], [sflag:$0x2] =	stream.indirect_vreg.gather [hbm4b:s6+s3], $0x80, v3, vm0, $0xb8;
	[tilespmem:$0x1C800] =	vst v63  }
0x95: {  	s31 =	simm.s32 $0x16000  }
0x96: {  	[tilespmem:s31], [sflag:$0x2] =	stream.indirect_vreg.gather [hbm4b:s7+s3], $0x80, v3, vm0, $0xb8;
	[tilespmem:$0x1C800] =	vst v63  }
0x97: {  	v3 =	vld [tilespmem:$0x60];
	_ =	sdelay $0x4  }
0x98: {  	v62 =	vshll.u32 v3, $0x3  }
0x99: {  	v3 =	vand.u32 $0x7, v3;
	v4 =	vand.u32 $0xFFFFFFC0, v62  }
0x9a: {  	v3 =	vor.u32 v3, v4  }
0x9b: {  	v4 =	vperm.xlane v3, v0;
	_ =	sdelay $0x1  }
0x9c: {  	v4 =	vadd.s32 v1, v4;
	_ =	sdelay $0x4  }
0x9d: {  	[tilespmem:s11], [sflag:$0x2] =	stream.indirect_vreg.gather [hbm4b:s1+s3], $0x80, v4, vm0, $0xb8;
	[tilespmem:$0x1C800] =	vst v63  }
0x9e: {  	v3 =	vperm.xlane v3, v2  }
0x9f: {  	[tilespmem:s12], [sflag:$0x2] =	stream.indirect_vreg.gather [hbm4b:s5+s3], $0x80, v4, vm0, $0xb8;
	[tilespmem:$0x1C800] =	vst v63  }
0xa0: {  	v3 =	vadd.s32 v1, v3  }
0xa1: {  	[tilespmem:s13], [sflag:$0x2] =	stream.indirect_vreg.gather [hbm4b:s6+s3], $0x80, v4, vm0, $0xb8;
	[tilespmem:$0x1C800] =	vst v63  }
0xa2: {  	_ = 	snop  }
0xa3: {  	[tilespmem:s14], [sflag:$0x2] =	stream.indirect_vreg.gather [hbm4b:s7+s3], $0x80, v4, vm0, $0xb8;
	[tilespmem:$0x1C800] =	vst v63  }
0xa4: {  	_ = 	snop  }
0xa5: {  	[tilespmem:s15], [sflag:$0x2] =	stream.indirect_vreg.gather [hbm4b:s1+s3], $0x80, v3, vm0, $0xb8;
	[tilespmem:$0x1C800] =	vst v63  }
0xa6: {  	_ = 	snop  }
0xa7: {  	[tilespmem:s16], [sflag:$0x2] =	stream.indirect_vreg.gather [hbm4b:s5+s3], $0x80, v3, vm0, $0xb8;
	[tilespmem:$0x1C800] =	vst v63  }
0xa8: {  	_ = 	snop  }
0xa9: {  	[tilespmem:s17], [sflag:$0x2] =	stream.indirect_vreg.gather [hbm4b:s6+s3], $0x80, v3, vm0, $0xb8;
	[tilespmem:$0x1C800] =	vst v63  }
0xaa: {  	_ = 	snop  }
0xab: {  	[tilespmem:s18], [sflag:$0x2] =	stream.indirect_vreg.gather [hbm4b:s7+s3], $0x80, v3, vm0, $0xb8;
	[tilespmem:$0x1C800] =	vst v63  }
0xac: {  	v3 =	vld.msk [tilespmem:$0x70], $0xff;
	_ =	sdelay $0x4  }
0xad: {  	v63 =	vshll.u32 v3, $0x3  }
0xae: {  	v3 =	vand.u32 $0x7, v3;
	v4 =	vand.u32 $0xFFFFFFC0, v63  }
0xaf: {  	v3 =	vor.u32 v3, v4  }
0xb0: {  	v3 =	vperm.xlane v3, v0;
	_ =	sdelay $0x1  }
0xb1: {  	v3 =	vadd.s32 v1, v3;
	_ =	sdelay $0x4  }
0xb2: {  	[tilespmem:s19], [sflag:$0x2] =	stream.indirect_vreg.gather [hbm4b:s1+s3], $0x80, v3, vm0, $0xb8;
	[tilespmem:$0x1C800] =	vst v63  }
0xb3: {  	_ = 	snop  }
0xb4: {  	[tilespmem:s20], [sflag:$0x2] =	stream.indirect_vreg.gather [hbm4b:s5+s3], $0x80, v3, vm0, $0xb8;
	[tilespmem:$0x1C800] =	vst v63  }
.Ltmp2:
0xb5: {  	_ = 	snop;
	(pc) =	sbr.rel .LBB2_2-.Ltmp2, $4  }
0xb6: {  	_ = 	snop  }
0xb7: {  	[tilespmem:s21], [sflag:$0x2] =	stream.indirect_vreg.gather [hbm4b:s6+s3], $0x80, v3, vm0, $0xb8;
	[tilespmem:$0x1C800] =	vst v63  }
0xb8: {  	s29 =	simm.s32 $0x0;
	s9 =	smov.u32 s28;
	s26 =	simm.s32 $0xB0  }
0xb9: {  	[tilespmem:s22], [sflag:$0x2] =	stream.indirect_vreg.gather [hbm4b:s7+s3], $0x80, v3, vm0, $0xb8;
	[tilespmem:$0x1C800] =	vst v63  }
.LBB2_4:
0xba: {  	s29 =	sadd.s32 $0x1, s29  }
0xbb: {  	p0 =	sne.s32 s29, $0x20  }
.Ltmp3:
0xbc: {  	_ = 	snop;
	(pc) =	sbr.rel @!p0 .LBB2_5-.Ltmp3, $2  }
0xbd: {  	_ =	sdelay $0x2  }
0xbe: {  	s9 =	sadd.s32 $0x1C00, s9;
	s26 =	sadd.s32 $0x40, s26  }
.LBB2_2:
0xbf: {  	s2 =	sand.u32 $0x1, s29  }
0xc0: {  	p0 =	sgt.u32 s29, $0x1D;
	s0 =	smul.u32 $0x38000, s2  }
.Ltmp4:
0xc1: {  	s30 =	sadd.s32 $0x1, s2;
	(pc) =	sbr.rel @p0 .LBB2_4-.Ltmp4, $4  }
0xc2: {  	_ =	swait.ge [sflag:s30], $0xE000  }
0xc3: {  	s31 =	sshrl.u32 s0, $0x2;
	[sflag:s30] =	ssyncset.done $0x0  }
0xc4: {  	s2 =	sadd.s32 $0x3, s2;
	s0 =	sor.u32 $0x800, s31;
	[sflag:s30] =	ssyncadd.s32 $0xFFFF2000  }
0xc5: {  	[hbm4b:s9+s3] =	stream.linear.scatter [tilespmem:s0], [sflag:s2], $0xE000, $0x38;
	[tilespmem:$0x1C800] =	vst v63  }
0xc6: {  	_ =	swait.ge [sflag:s2], $0xE000  }
0xc7: {  	[sflag:s2] =	ssyncset.done $0x0  }
0xc8: {  	[sflag:s2] =	ssyncadd.s32 $0xFFFF2000  }
0xc9: {  	v3 =	vld [tilespmem:s26+$0xFFFFFFD0];
	_ =	sdelay $0x4  }
0xca: {  	v4 =	vshll.u32 v3, $0x3  }
0xcb: {  	v3 =	vand.u32 $0x7, v3;
	v4 =	vand.u32 $0xFFFFFFC0, v4  }
0xcc: {  	v3 =	vor.u32 v3, v4  }
0xcd: {  	v4 =	vperm.xlane v3, v0;
	_ =	sdelay $0x1  }
0xce: {  	v4 =	vadd.s32 v1, v4;
	_ =	sdelay $0x4  }
0xcf: {  	[tilespmem:s0], [sflag:s30] =	stream.indirect_vreg.gather [hbm4b:s1+s3], $0x80, v4, vm0, $0xb8;
	[tilespmem:$0x1C800] =	vst v63  }
0xd0: {  	s2 =	sadd.s32 $0x1000, s31;
	v3 =	vperm.xlane v3, v2  }
0xd1: {  	[tilespmem:s2], [sflag:s30] =	stream.indirect_vreg.gather [hbm4b:s5+s3], $0x80, v4, vm0, $0xb8;
	[tilespmem:$0x1C800] =	vst v63  }
0xd2: {  	v3 =	vadd.s32 v1, v3;
	s2 =	sadd.s32 $0x1800, s31  }
0xd3: {  	[tilespmem:s2], [sflag:s30] =	stream.indirect_vreg.gather [hbm4b:s6+s3], $0x80, v4, vm0, $0xb8;
	[tilespmem:$0x1C800] =	vst v63  }
0xd4: {  	s2 =	sadd.s32 $0x2000, s31  }
0xd5: {  	[tilespmem:s2], [sflag:s30] =	stream.indirect_vreg.gather [hbm4b:s7+s3], $0x80, v4, vm0, $0xb8;
	[tilespmem:$0x1C800] =	vst v63  }
0xd6: {  	s2 =	sadd.s32 $0x2800, s31  }
0xd7: {  	[tilespmem:s2], [sflag:s30] =	stream.indirect_vreg.gather [hbm4b:s1+s3], $0x80, v3, vm0, $0xb8;
	[tilespmem:$0x1C800] =	vst v63  }
0xd8: {  	s2 =	sadd.s32 $0x3000, s31  }
0xd9: {  	[tilespmem:s2], [sflag:s30] =	stream.indirect_vreg.gather [hbm4b:s5+s3], $0x80, v3, vm0, $0xb8;
	[tilespmem:$0x1C800] =	vst v63  }
0xda: {  	s2 =	sadd.s32 $0x3800, s31  }
0xdb: {  	[tilespmem:s2], [sflag:s30] =	stream.indirect_vreg.gather [hbm4b:s6+s3], $0x80, v3, vm0, $0xb8;
	[tilespmem:$0x1C800] =	vst v63  }
0xdc: {  	s2 =	sadd.s32 $0x4000, s31  }
0xdd: {  	[tilespmem:s2], [sflag:s30] =	stream.indirect_vreg.gather [hbm4b:s7+s3], $0x80, v3, vm0, $0xb8;
	[tilespmem:$0x1C800] =	vst v63  }
0xde: {  	v3 =	vld [tilespmem:s26+$0xFFFFFFE0];
	_ =	sdelay $0x4  }
0xdf: {  	v61 =	vshll.u32 v3, $0x3  }
0xe0: {  	v3 =	vand.u32 $0x7, v3;
	v4 =	vand.u32 $0xFFFFFFC0, v61  }
0xe1: {  	v3 =	vor.u32 v3, v4  }
0xe2: {  	v4 =	vperm.xlane v3, v0;
	_ =	sdelay $0x1  }
0xe3: {  	v4 =	vadd.s32 v1, v4;
	_ =	sdelay $0x3  }
0xe4: {  	s2 =	sadd.s32 $0x4800, s31  }
0xe5: {  	[tilespmem:s2], [sflag:s30] =	stream.indirect_vreg.gather [hbm4b:s1+s3], $0x80, v4, vm0, $0xb8;
	[tilespmem:$0x1C800] =	vst v63  }
0xe6: {  	v3 =	vperm.xlane v3, v2;
	s2 =	sadd.s32 $0x5000, s31  }
0xe7: {  	[tilespmem:s2], [sflag:s30] =	stream.indirect_vreg.gather [hbm4b:s5+s3], $0x80, v4, vm0, $0xb8;
	[tilespmem:$0x1C800] =	vst v63  }
0xe8: {  	v3 =	vadd.s32 v1, v3;
	s2 =	sadd.s32 $0x5800, s31  }
0xe9: {  	[tilespmem:s2], [sflag:s30] =	stream.indirect_vreg.gather [hbm4b:s6+s3], $0x80, v4, vm0, $0xb8;
	[tilespmem:$0x1C800] =	vst v63  }
0xea: {  	s2 =	sadd.s32 $0x6000, s31  }
0xeb: {  	[tilespmem:s2], [sflag:s30] =	stream.indirect_vreg.gather [hbm4b:s7+s3], $0x80, v4, vm0, $0xb8;
	[tilespmem:$0x1C800] =	vst v63  }
0xec: {  	s2 =	sadd.s32 $0x6800, s31  }
0xed: {  	[tilespmem:s2], [sflag:s30] =	stream.indirect_vreg.gather [hbm4b:s1+s3], $0x80, v3, vm0, $0xb8;
	[tilespmem:$0x1C800] =	vst v63  }
0xee: {  	s2 =	sadd.s32 $0x7000, s31  }
0xef: {  	[tilespmem:s2], [sflag:s30] =	stream.indirect_vreg.gather [hbm4b:s5+s3], $0x80, v3, vm0, $0xb8;
	[tilespmem:$0x1C800] =	vst v63  }
0xf0: {  	s2 =	sadd.s32 $0x7800, s31  }
0xf1: {  	[tilespmem:s2], [sflag:s30] =	stream.indirect_vreg.gather [hbm4b:s6+s3], $0x80, v3, vm0, $0xb8;
	[tilespmem:$0x1C800] =	vst v63  }
0xf2: {  	s2 =	sadd.s32 $0x8000, s31  }
0xf3: {  	[tilespmem:s2], [sflag:s30] =	stream.indirect_vreg.gather [hbm4b:s7+s3], $0x80, v3, vm0, $0xb8;
	[tilespmem:$0x1C800] =	vst v63  }
0xf4: {  	v3 =	vld [tilespmem:s26+$0xFFFFFFF0];
	_ =	sdelay $0x4  }
0xf5: {  	v62 =	vshll.u32 v3, $0x3  }
0xf6: {  	v3 =	vand.u32 $0x7, v3;
	v4 =	vand.u32 $0xFFFFFFC0, v62  }
0xf7: {  	v3 =	vor.u32 v3, v4  }
0xf8: {  	v4 =	vperm.xlane v3, v0;
	_ =	sdelay $0x1  }
0xf9: {  	v4 =	vadd.s32 v1, v4;
	_ =	sdelay $0x3  }
0xfa: {  	s2 =	sadd.s32 $0x8800, s31  }
0xfb: {  	[tilespmem:s2], [sflag:s30] =	stream.indirect_vreg.gather [hbm4b:s1+s3], $0x80, v4, vm0, $0xb8;
	[tilespmem:$0x1C800] =	vst v63  }
0xfc: {  	v3 =	vperm.xlane v3, v2;
	s2 =	sadd.s32 $0x9000, s31  }
0xfd: {  	[tilespmem:s2], [sflag:s30] =	stream.indirect_vreg.gather [hbm4b:s5+s3], $0x80, v4, vm0, $0xb8;
	[tilespmem:$0x1C800] =	vst v63  }
0xfe: {  	v3 =	vadd.s32 v1, v3;
	s2 =	sadd.s32 $0x9800, s31  }
0xff: {  	[tilespmem:s2], [sflag:s30] =	stream.indirect_vreg.gather [hbm4b:s6+s3], $0x80, v4, vm0, $0xb8;
	[tilespmem:$0x1C800] =	vst v63  }
0x100: {  	s2 =	sadd.s32 $0xA000, s31  }
0x101: {  	[tilespmem:s2], [sflag:s30] =	stream.indirect_vreg.gather [hbm4b:s7+s3], $0x80, v4, vm0, $0xb8;
	[tilespmem:$0x1C800] =	vst v63  }
0x102: {  	s2 =	sadd.s32 $0xA800, s31  }
0x103: {  	[tilespmem:s2], [sflag:s30] =	stream.indirect_vreg.gather [hbm4b:s1+s3], $0x80, v3, vm0, $0xb8;
	[tilespmem:$0x1C800] =	vst v63  }
0x104: {  	s2 =	sadd.s32 $0xB000, s31  }
0x105: {  	[tilespmem:s2], [sflag:s30] =	stream.indirect_vreg.gather [hbm4b:s5+s3], $0x80, v3, vm0, $0xb8;
	[tilespmem:$0x1C800] =	vst v63  }
0x106: {  	s2 =	sadd.s32 $0xB800, s31  }
0x107: {  	[tilespmem:s2], [sflag:s30] =	stream.indirect_vreg.gather [hbm4b:s6+s3], $0x80, v3, vm0, $0xb8;
	[tilespmem:$0x1C800] =	vst v63  }
0x108: {  	s2 =	sadd.s32 $0xC000, s31  }
0x109: {  	[tilespmem:s2], [sflag:s30] =	stream.indirect_vreg.gather [hbm4b:s7+s3], $0x80, v3, vm0, $0xb8;
	[tilespmem:$0x1C800] =	vst v63  }
0x10a: {  	v3 =	vld.msk [tilespmem:s26+$0x0], $0xff;
	_ =	sdelay $0x4  }
0x10b: {  	v63 =	vshll.u32 v3, $0x3  }
0x10c: {  	v3 =	vand.u32 $0x7, v3;
	v4 =	vand.u32 $0xFFFFFFC0, v63  }
0x10d: {  	v3 =	vor.u32 v3, v4  }
0x10e: {  	v3 =	vperm.xlane v3, v0;
	_ =	sdelay $0x1  }
0x10f: {  	v3 =	vadd.s32 v1, v3;
	_ =	sdelay $0x3  }
0x110: {  	s2 =	sadd.s32 $0xC800, s31  }
0x111: {  	[tilespmem:s2], [sflag:s30] =	stream.indirect_vreg.gather [hbm4b:s1+s3], $0x80, v3, vm0, $0xb8;
	[tilespmem:$0x1C800] =	vst v63  }
0x112: {  	s2 =	sadd.s32 $0xD000, s31  }
0x113: {  	[tilespmem:s2], [sflag:s30] =	stream.indirect_vreg.gather [hbm4b:s5+s3], $0x80, v3, vm0, $0xb8;
	[tilespmem:$0x1C800] =	vst v63  }
.Ltmp5:
0x114: {  	_ = 	snop;
	(pc) =	sbr.rel .LBB2_4-.Ltmp5, $4  }
0x115: {  	s2 =	sadd.s32 $0xD800, s31  }
0x116: {  	[tilespmem:s2], [sflag:s30] =	stream.indirect_vreg.gather [hbm4b:s6+s3], $0x80, v3, vm0, $0xb8;
	[tilespmem:$0x1C800] =	vst v63  }
0x117: {  	s31 =	sadd.s32 $0xE000, s31  }
0x118: {  	[tilespmem:s31], [sflag:s30] =	stream.indirect_vreg.gather [hbm4b:s7+s3], $0x80, v3, vm0, $0xb8;
	[tilespmem:$0x1C800] =	vst v63  }
.LBB2_6:
0x119: {  	_ =	sfence.sel $0x180000  }
0x11a: {  	[bflag:$0x0] =	sbarrier.arrive $0xFFFF  }
0x11b: {  	_ =	strace $0x90000047  }
0x11c: {  	s0 =	stileid.u32;
	[bflag:$0x2] =	sbarrier.arrive $0xFFFF  }
0x11d: {  	p0 =	sne.s32 s0, $0x0;
	s0 =	rddreg [dreg:$0x2]  }
0x11e: {  	s0 =	sadd.s32 @!p0 $0x100000, s0  }
0x11f: {  	[sflag:s0] =	ssyncadd.tile.s32 @!p0 $0x1;
	_ =	shalt  }
.Lfunc_end2:
_tile_overlayer_lowered:
.L_overlay_start_2:
0x120: {  	(tag) =	ssettag $0x2  }
0x121: {  	s0 =	rddreg [dreg:$0x0];
	s2 =	stileid.u32  }
0x122: {  	s1 =	rddreg [dreg:$0x1];
	p0 =	sne.s32 s2, $0x0  }
0x123: {  	s3 =	rddreg [dreg:$0x2];
	[bflag:$0x3] =	sbarrier.arrive $0xFFFF;
	s2 =	simm.s32 @!p0 $0x1C05  }
0x124: {  	[timem:s3], [sflag:s2] =	dma.local @!p0 [hbm:s0], s1  }
0x125: {  	s0 =	simm.s32 @!p0 $0x5  }
0x126: {  	_ =	swait.ge @!p0 [sflag:s0], s1  }
0x127: {  	s1 =	ssub.s32 @!p0 $0x0, s1;
	[sflag:s0] =	ssyncset.done @!p0 $0x0  }
0x128: {  	[sflag:s0] =	ssyncadd.s32 @!p0 s1  }
0x129: {  	[bflag:$0x3] =	sbarrier.arrive $0xFFFF  }
0x12a: {  	_ =	shalt  }

// kernel: sparse-core-data-format-call.cloned.1.call-start
scs
called_computation_lowered:
.L_overlay_start_0:
0x0: {  	s2 =	sld [smem:$0x3FD9]  }
0x1: {  	s3 =	sld [smem:$0x3FFE];
	_ =	sdelay $0x1  }
0x2: {  	s1 =	srdreg.scid  }
0x3: {  	s0 =	sand.u32 $0x1, s1  }
0x4: {  	s18 =	sshll.u32 s0, $0xA;
	s2 =	sadd.s32 s3, s2  }
0x5: {  	s2 =	sadd.s32 s2, s18  }
0x6: {  	[smem:$0x3FC6] =	sst s2  }
0x7: {  	_ = 	snop  }
0x8: {  	s2 =	sld [smem:$0x3FD0];
	(tm) =	ssettm $0x1  }
0x9: {  	s19 =	sld [smem:$0x3FFB];
	_ =	sdelay $0x3  }
0xa: {  	_ =	strace s19  }
0xb: {  	s3 =	sld [smem:$0x3FFC];
	_ =	sdelay $0x3  }
0xc: {  	_ =	strace s3  }
0xd: {  	s3 =	sld [smem:$0x3FFD];
	_ =	sdelay $0x3  }
0xe: {  	_ =	strace s3  }
0xf: {  	_ =	strace $0x8FFFFFFF  }
0x10: {  	s20 =	sld [smem:$0x3FDB];
	_ =	sdelay $0x1  }
0x11: {  	s4 =	simm.s32 $_scs_section_size  }
0x12: {  	s5 =	simm.s32 $_size__tile_overlayer_lowered;
	s6 =	simm.s32 $_tile_overlayer_lowered  }
0x13: {  	s23 =	simm.s32 $0x1BFF;
	s22 =	sshll.u32 s6, $0x1;
	s3 =	sadd.s32 s4, s20  }
0x14: {  	s7 =	simm.s32 $0x0;
	s21 =	sshll.u32 s5, $0x1;
	s5 =	sadd.s32 s22, s3  }
0x15: {  	[timem:s7], [sflag:s23] =	dma.local [hbm:s5], s21  }
0x16: {  	_ =	swait.ge [sflag:s23], s21  }
0x17: {  	s4 =	ssub.s32 $0x0, s21;
	[sflag:s23] =	ssyncset.done $0x0  }
0x18: {  	[sflag:s23] =	ssyncadd.s32 s4;
	_ =	sdelay $0x1  }
0x19: {  	s24 =	simm.s32 $0x1B8B  }
0x1a: {  	_ =	swait.ge [sflag:s24], $0x1  }
0x1b: {  	[sflag:s24] =	ssyncset.done $0x0  }
0x1c: {  	s26 =	simm.s32 $0x1B8E;
	s25 =	sld [smem:$0x3FFE];
	[sflag:s24] =	ssyncadd.s32 $0xFFFFFFFF  }
0x1d: {  	s27 =	simm.s32 $execute0_lowered;
	[smem:$0x3FD2] =	sst s26  }
0x1e: {  	s5 =	sshll.u32 s27, $0x1;
	_ =	strace $0x80000049;
	[dreg:$0x1] =	wrdreg $0xFFFFFFFF  }
0x1f: {  	s28 =	simm.s32 $_size_execute0_lowered;
	s3 =	sadd.s32 s3, s5;
	[dreg:$0x0] =	wrdreg $0x0  }
0x20: {  	s5 =	sshll.u32 s28, $0x1;
	[dreg:$0x2] =	wrdreg s3  }
0x21: {  	[dreg:$0x3] =	wrdreg s5  }
0x22: {  	[dreg:$0x4] =	wrdreg $0xC0  }
0x23: {  	_ =	task [dreg:s7], $0x5FFFF  }
0x24: {  	[dreg:$0x1] =	wrdreg $0xFFFFFFFF  }
0x25: {  	[dreg:$0x0] =	wrdreg $0x60  }
0x26: {  	[dreg:$0x2] =	wrdreg s25  }
0x27: {  	[dreg:$0x3] =	wrdreg s2  }
0x28: {  	[dreg:$0x4] =	wrdreg $0x9  }
0x29: {  	_ =	task.clear_ibuf [dreg:s7], $0x5FFFF;
	_ =	strace $0x90000049  }
0x2a: {  	s29 =	simm.s32 $0x9;
	_ =	strace $0x8000004B  }
0x2b: {  	_ =	swait.ge [sflag:s29], $0x1  }
0x2c: {  	[sflag:s29] =	ssyncadd.s32 $0xFFFFFFFF  }
0x2d: {  	_ =	strace $0x9000004B  }
0x2e: {  	_ =	sfence  }
0x2f: {  	s30 =	sld [smem:$0x0];
	_ =	sdelay $0x2  }
0x30: {  	s31 =	sshll.u32 s1, $0xD;
	s1 =	sshrl.u32 s1, $0x2  }
0x31: {  	s3 =	sand.u32 $0x4000, s31;
	s1 =	sadd.s32 s1, s30  }
0x32: {  	s0 =	sor.u32 s3, s0;
	s1 =	sshll.u32 s1, $0x11  }
0x33: {  	s0 =	sor.u32 s1, s0  }
0x34: {  	s0 =	sadd.s32 $0x8F2B, s0  }
0x35: {  	[sflag:s0] =	ssyncadd.remote.s32 $0x1  }
0x36: {  	_ =	sfence.sel $0xFFFF  }
0x37: {  	[dreg:$0x0] =	wrdreg $0xFFFFFFFF;
	(pc) =	sbr.abs _section_cstart, $3  }
0x38: {  	[dreg:$0x1] =	wrdreg $0xFFFFFFFF  }
0x39: {  	_ =	task.clear_ibuf [dreg:s7], $0x2FFFF;
	_ =	strace $0x9FFFFFFF  }
0x3a: {  	(tm) =	ssettm $0x7FFFFFFF  }
0x3b: {  	_ =	shalt  }
tec
execute0_lowered:
.L_overlay_start_1:
0x0: {  	(tag) =	ssettag $0x1  }
0x1: {  	s4 =	rddreg [dreg:$0x0]  }
0x2: {  	s0 =	stileid.u32;
	s2 =	rddreg [dreg:$0x1]  }
0x3: {  	s7 =	srdreg.scid;
	s31 =	simm.s32 $0x2;
	s17 =	simm.s32 $0x0  }
0x4: {  	s9 =	simm.s32 $0x2000;
	s19 =	simm.s32 $0x0;
	s18 =	simm.s32 $0x0  }
0x5: {  	s10 =	simm.s32 $0x0;
	s11 =	simm.s32 $0x0;
	s1 =	sshll.u32 s0, $0x7  }
0x6: {  	s12 =	simm.s32 $0x0;
	s14 =	simm.s32 $0x0;
	s3 =	sand.u32 $0x380, s1  }
0x7: {  	s16 =	simm.s32 $0x0;
	s4 =	sadd.s32 $0x2800, s4;
	s5 =	ssub.s32 $0x400, s3  }
0x8: {  	s8 =	sshll.u32 s0, $0x4;
	s7 =	sshll.u32 s7, $0x8;
	s6 =	sand.u32 $0x380, s5  }
0x9: {  	s1 =	rddreg [dreg:$0x2];
	p0 =	sne.s32 s6, $0x0;
	s6 =	simm.s32 $0x1  }
.Ltmp0:
0xa: {  	s5 =	sshrl.u32 s5, $0xA;
	s6 =	simm.s32 @!p0 $0x0;
	(pc) =	sbr.rel .LBB1_1-.Ltmp0, $4  }
0xb: {  	_ =	strace $0x8000004A;
	s7 =	sor.u32 s8, s7;
	s6 =	sadd.s32 s6, s5  }
0xc: {  	s7 =	sand.u32 $0x180, s7;
	s5 =	simm.s32 $0x1;
	s6 =	smul.u32 $0x64, s6  }
0xd: {  	s15 =	smov.u32 s3;
	s13 =	smov.u32 s7;
	[sflag:s5] =	ssyncpa.u1 $0x0  }
0xe: {  	p0 =	por $0x0, $0x0;
	[sflag:s31] =	ssyncpa.u1 $0x0;
	s8 =	sor.u32 $0x1, s6  }
.LBB1_4:
0xf: {  	s25 =	sshll.u32 s10, $0xA;
	s24 =	sshra.s32 s24, $0x2;
	s26 =	sshll.u32 s12, $0x3  }
0x10: {  	p1 =	sgt.s32 s11, $0x31;
	s27 =	smov.u32 s11;
	s28 =	sshra.s32 s11, $0x1F  }
0x11: {  	p2 =	sgt.s32 s12, $0x380;
	s31 =	sshra.s32 s12, $0x1F;
	s25 =	sand.u32 $0xFFFFE000, s25  }
0x12: {  	s26 =	sand.u32 $0xFFFFFC00, s26;
	s27 =	simm.s32 @!p1 $0x31;
	s28 =	sand.u32 s28, s11  }
0x13: {  	[tilespmem:s22+$0x2040 ss:$0x81] =	vst.msk $0xffff, v4;
	s23 =	sadd.s32 s24, s23;
	s29 =	sadd.s32 s26, s25;
	s25 =	ssub.s32 s27, s28  }
0x14: {  	[tilespmem:s22+$0x2850 ss:$0x81] =	vst.msk $0xffff, v3;
	s27 =	smov.u32 s12;
	s28 =	smov.u32 s10;
	s26 =	sand.u32 s31, s12  }
0x15: {  	[tilespmem:s22+$0x3060 ss:$0x81] =	vst.msk $0xffff, v2;
	s24 =	sshrl.u32 s29, $0xA;
	s30 =	sadd.s32 $0xFFFFFFCF, s25;
	s27 =	simm.s32 @!p2 $0x380  }
0x16: {  	v5 =	vld [tilespmem:s21+$0xFFFFFFD0];
	[tilespmem:s22+$0x0 ss:$0x81] =	vst.msk $0xffff, v1;
	p2 =	sgt.s32 s10, $0x368;
	s29 =	sshra.s32 s10, $0x1F;
	s22 =	ssub.s32 $0x32, s25  }
0x17: {  	v58 =	vld [tilespmem:s21+$0xFFFFFFE0];
	p1 =	sgt.s32 s30, $0x0;
	s28 =	simm.s32 @!p2 $0x368;
	s29 =	sand.u32 s29, s10  }
0x18: {  	v59 =	vld [tilespmem:s21+$0xFFFFFFF0];
	s26 =	ssub.s32 s27, s26;
	s27 =	smulhi.u32 $0x418938, s24;
	s28 =	ssub.s32 s28, s29  }
0x19: {  	v60 =	vld [tilespmem:s21+$0x0];
	s30 =	sadd.s32 $0xFFFFFC80, s26;
	s25 =	ssub.s32 $0x400, s26;
	s22 =	simm.s32 @p1 $0x0  }
0x1a: {  	v61 =	vld [tilespmem:s21+$0x10];
	[tilespmem:s23+$0x3870 ss:$0x81] =	vst.msk $0xffff, v0;
	s29 =	sand.u32 $0x78, s12;
	p2 =	sgt.s32 s30, $0x7F;
	s31 =	sadd.s32 $0xFFFFFC98, s28  }
0x1b: {  	v62 =	vld [tilespmem:s21+$0x20];
	[tilespmem:s23+$0x810 ss:$0x81] =	vst.msk $0xffff, v5;
	s27 =	smul.u32 $0x3E8, s27;
	s30 =	sshll.u32 s10, $0x7;
	s28 =	ssub.s32 $0x3E8, s28  }
0x1c: {  	v63 =	vld [tilespmem:s21+$0xFFFFFFC0];
	[tilespmem:s23+$0x1020 ss:$0x81] =	vst.msk $0xffff, v58;
	s25 =	simm.s32 @p2 $0x0;
	p1 =	sgt.s32 s31, $0x7F;
	s31 =	smul.u32 $0x1F400, s11  }
0x1d: {  	[tilespmem:s23+$0x1830 ss:$0x81] =	vst.msk $0xffff, v59;
	s21 =	sand.u32 $0x380, s30;
	s22 =	smul.u32 s25, s22;
	s28 =	simm.s32 @p1 $0x0  }
0x1e: {  	[tilespmem:s23+$0x2040 ss:$0x81] =	vst.msk $0xffff, v60;
	s21 =	sor.u32 s29, s21;
	s24 =	ssub.s32 s24, s27;
	s29 =	sand.u32 $0x7, s12  }
0x1f: {  	[tilespmem:s23+$0x2850 ss:$0x81] =	vst.msk $0xffff, v61;
	s21 =	sshrl.u32 s21, $0x3;
	s25 =	sadd.s32 s2, s31;
	s22 =	smul.u32 s28, s22  }
0x20: {  	[tilespmem:s23+$0x3060 ss:$0x81] =	vst.msk $0xffff, v62;
	s24 =	sshll.u32 s24, $0x7;
	s30 =	sshll.u32 s29, $0x12;
	s21 =	sadd.s32 s21, s25  }
0x21: {  	[tilespmem:s23+$0x0 ss:$0x81] =	vst.msk $0xffff, v63;
	s31 =	sor.u32 $0x400, s30;
	s21 =	sadd.s32 s24, s21;
	s22 =	sand.u32 $0x3FFFFFFF, s22  }
0x22: {  	[hbm4b:s21+s31] =	stream.strided.scatter [tilespmem:s20], [sflag:$0x2], s22, s9, s31, $0x20;
	[tilespmem:$0x10100] =	vst v63  }
.LBB1_5:
0x23: {  	p1 =	slt.u32 s16, $0x2  }
0x24: {  	p2 =	sgt.s32 @!p1 s19, $0x31  }
0x25: {  	s20 =	smov.u32 s19;
	s21 =	sshra.s32 @!p1 s19, $0x1F;
	p2 =	por !p2, p1  }
0x26: {  	s19 =	sand.u32 @!p1 s21, s19;
	s20 =	simm.s32 @p2 $0x31  }
0x27: {  	p3 =	sgt.s32 @!p1 s17, $0x368;
	s19 =	ssub.s32 @!p1 s20, s19  }
0x28: {  	p4 =	sgt.s32 @!p1 s18, $0x380;
	s22 =	sshra.s32 @!p1 s18, $0x1F;
	s20 =	sadd.s32 @!p1 $0xFFFFFFCF, s19  }
0x29: {  	s21 =	smov.u32 s17;
	p2 =	sgt.s32 @!p1 s20, $0x0;
	s20 =	sshra.s32 @!p1 s17, $0x1F  }
0x2a: {  	p4 =	por !p4, p1;
	s17 =	sand.u32 @!p1 s20, s17;
	s20 =	smov.u32 s18  }
0x2b: {  	p3 =	por !p3, p1;
	s18 =	sand.u32 @!p1 s22, s18;
	s20 =	simm.s32 @p4 $0x380  }
0x2c: {  	s21 =	simm.s32 @p3 $0x368;
	s19 =	ssub.s32 @!p1 $0x32, s19;
	s18 =	ssub.s32 @!p1 s20, s18  }
0x2d: {  	p2 =	por !p2, p1;
	s17 =	ssub.s32 @!p1 s21, s17;
	s21 =	sadd.s32 @!p1 $0xFFFFFC80, s18  }
0x2e: {  	s19 =	simm.s32 @!p2 $0x0;
	p3 =	sgt.s32 @!p1 s21, $0x7F  }
0x2f: {  	s20 =	sadd.s32 @!p1 $0xFFFFFC98, s17;
	s18 =	ssub.s32 @!p1 $0x400, s18;
	p3 =	por !p3, p1  }
0x30: {  	p2 =	sgt.s32 @!p1 s20, $0x7F;
	s20 =	sadd.s32 $0x200, s13;
	s18 =	simm.s32 @!p3 $0x0  }
0x31: {  	p3 =	sgt.s32 s20, $0x3E7;
	s18 =	smul.u32 @!p1 s18, s19;
	s19 =	simm.s32 $0x1  }
0x32: {  	s17 =	ssub.s32 @!p1 $0x3E8, s17;
	p2 =	por !p2, p1;
	s19 =	simm.s32 @!p3 $0x0  }
0x33: {  	s22 =	smov.u32 s15;
	s17 =	simm.s32 @!p2 $0x0;
	s21 =	sadd.s32 s19, s14  }
0x34: {  	s17 =	smul.u32 @!p1 s17, s18;
	s18 =	sadd.s32 $0x400, s15;
	p2 =	sgt.s32 s21, $0x31  }
0x35: {  	p0 =	por !p0, !p0;
	s23 =	simm.s32 @!p1 $0x2;
	s22 =	smov.u32 @p2 s18  }
0x36: {  	s20 =	smov.u32 @p3 s7;
	s21 =	simm.s32 @p2 $0x0;
	p2 =	sgt.s32 s22, $0x3FF  }
0x37: {  	s19 =	smov.u32 s11;
	s22 =	smov.u32 @p2 s3;
	p2 =	sne.s32 s16, s8  }
.Ltmp1:
0x38: {  	s11 =	smov.u32 s14;
	s17 =	sand.u32 @!p1 $0x3FFFFFFF, s17;
	(pc) =	sbr.rel @!p2 .LBB1_6-.Ltmp1, $4  }
0x39: {  	s18 =	smov.u32 s12;
	s12 =	smov.u32 s15;
	_ =	swait.ge @!p1 [sflag:s23], s17  }
0x3a: {  	s24 =	ssub.s32 @!p1 $0x0, s17;
	s17 =	smov.u32 s10;
	s10 =	smov.u32 s13  }
0x3b: {  	s13 =	smov.u32 s20;
	s14 =	smov.u32 s21;
	[sflag:s23] =	ssyncset.done @!p1 $0x0  }
0x3c: {  	s16 =	sadd.s32 $0x1, s16;
	[sflag:s23] =	ssyncadd.s32 @!p1 s24;
	s15 =	smov.u32 s22  }
.LBB1_1:
0x3d: {  	p1 =	sge.u32 s16, s6  }
0x3e: {  	s20 =	sshll.u32 @!p1 s14, $0xA  }
0x3f: {  	s21 =	sshll.u32 @!p1 s13, $0x3;
	s20 =	sand.u32 @!p1 $0xFFFFE000, s20  }
0x40: {  	s20 =	sadd.s32 @!p1 s20, s21  }
0x41: {  	s20 =	sshrl.u32 @!p1 s20, $0xA  }
0x42: {  	s21 =	smulhi.u32 @!p1 $0x4924925, s20  }
0x43: {  	s22 =	sshll.u32 @!p1 s14, $0x7;
	s24 =	smul.u32 @!p1 $0x1C00, s15  }
0x44: {  	s23 =	sand.u32 @!p1 $0x78, s13;
	s22 =	sand.u32 @!p1 $0x380, s22;
	s21 =	smul.u32 @!p1 $0x38, s21  }
0x45: {  	s31 =	sadd.s32 $0xFFFFFFFF, s16;
	s22 =	sor.u32 @!p1 s23, s22;
	s23 =	sadd.s32 @!p1 s4, s24  }
0x46: {  	s22 =	sshrl.u32 @!p1 s22, $0x3;
	s20 =	ssub.s32 @!p1 s20, s21;
	s21 =	sxor.u32 @!p1 $0xFFFFFFFF, s16  }
0x47: {  	s22 =	sadd.s32 @!p1 s22, s23;
	s23 =	sand.u32 @!p1 $0x7, s13;
	s21 =	sshll.u32 @!p1 s21, $0xE  }
0x48: {  	s23 =	sshll.u32 @!p1 s23, $0x12;
	s20 =	sshll.u32 @!p1 s20, $0x7;
	s21 =	sand.u32 @!p1 $0x4000, s21  }
0x49: {  	s20 =	sadd.s32 @!p1 s20, s22;
	s22 =	sor.u32 @!p1 $0x80, s23;
	s23 =	simm.s32 @!p1 $0xE000  }
0x4a: {  	[tilespmem:s21], [sflag:$0x1] =	stream.strided.gather @!p1 [hbm4b:s20+s22], $0x4000, s23, s22, $0x38;
	[tilespmem:$0x10100] =	vst v63  }
0x4b: {  	p1 =	sge.u32 s31, s6  }
.Ltmp2:
0x4c: {  	_ = 	snop;
	(pc) =	sbr.rel @p1 .LBB1_5-.Ltmp2, $1  }
0x4d: {  	_ =	sdelay $0x3  }
0x4e: {  	s20 =	simm.s32 $0x1  }
0x4f: {  	_ =	swait.ge [sflag:s5], $0x4000;
	s20 =	simm.s32 @!p0 $0x0  }
0x50: {  	[sflag:s5] =	ssyncset.done $0x0;
	s21 =	sshll.u32 s20, $0xE  }
0x51: {  	[sflag:s5] =	ssyncadd.s32 $0xFFFFC000;
	s21 =	sor.u32 $0x40, s21  }
0x52: {  	s20 =	smul.u32 $0x10200, s20;
	v0 =	vld [tilespmem:s21+$0x30]  }
0x53: {  	v1 =	vld [tilespmem:s21+$0xFFFFFFD0]  }
0x54: {  	s20 =	sshrl.u32 s20, $0x2;
	v5 =	vld [tilespmem:s21+$0xFFFFFFE0]  }
0x55: {  	v6 =	vld [tilespmem:s21+$0xFFFFFFF0];
	s23 =	sor.u32 $0x8000, s20  }
0x56: {  	s31 =	sand.u32 $0x1, s16;
	v4 =	vld [tilespmem:s21+$0x0];
	s22 =	sadd.s32 $0x0, s23  }
0x57: {  	v3 =	vld [tilespmem:s21+$0x10];
	s20 =	smul.u32 $0x10200, s31;
	[tilespmem:s22+$0x3870 ss:$0x81] =	vst.msk $0xffff, v0  }
0x58: {  	v2 =	vld [tilespmem:s21+$0x20];
	[tilespmem:s22+$0x810 ss:$0x81] =	vst.msk $0xffff, v1  }
0x59: {  	s20 =	sshrl.u32 s20, $0x2;
	v1 =	vld [tilespmem:s21+$0xFFFFFFC0];
	[tilespmem:s22+$0x1020 ss:$0x81] =	vst.msk $0xffff, v5;
	s21 =	sadd.s32 $0x80, s21  }
0x5a: {  	s24 =	simm.s32 $0x4;
	s25 =	simm.s32 $0x8;
	s20 =	sor.u32 $0x8000, s20;
	[tilespmem:s22+$0x1830 ss:$0x81] =	vst.msk $0xffff, v6;
	v0 =	vld [tilespmem:s21+$0x30]  }
.LBB1_3:
0x5b: {  	p1 =	sne.s32 s25, $0x1FC;
	v5 =	vld [tilespmem:s21+$0xFFFFFFD0];
	[tilespmem:s22+$0x2040 ss:$0x81] =	vst.msk $0xffff, v4  }
0x5c: {  	v6 =	vld [tilespmem:s21+$0xFFFFFFE0];
	[tilespmem:s22+$0x2850 ss:$0x81] =	vst.msk $0xffff, v3  }
0x5d: {  	s26 =	sshra.s32 s24, $0x2;
	s24 =	smov.u32 s25;
	v7 =	vld [tilespmem:s21+$0xFFFFFFF0];
	[tilespmem:s22+$0x3060 ss:$0x81] =	vst.msk $0xffff, v2  }
.Ltmp3:
0x5e: {  	v4 =	vld [tilespmem:s21+$0x0];
	[tilespmem:s22+$0x0 ss:$0x81] =	vst.msk $0xffff, v1;
	s22 =	sadd.s32 s26, s23;
	(pc) =	sbr.rel @p1 .LBB1_3-.Ltmp3, $4  }
0x5f: {  	v3 =	vld [tilespmem:s21+$0x10];
	[tilespmem:s22+$0x3870 ss:$0x81] =	vst.msk $0xffff, v0  }
0x60: {  	[tilespmem:s22+$0x810 ss:$0x81] =	vst.msk $0xffff, v5;
	v2 =	vld [tilespmem:s21+$0x20]  }
0x61: {  	v1 =	vld [tilespmem:s21+$0xFFFFFFC0];
	[tilespmem:s22+$0x1020 ss:$0x81] =	vst.msk $0xffff, v6;
	s21 =	sadd.s32 $0x80, s21  }
0x62: {  	s25 =	sadd.s32 $0x4, s25;
	v0 =	vld [tilespmem:s21+$0x30];
	[tilespmem:s22+$0x1830 ss:$0x81] =	vst.msk $0xffff, v7  }
.Ltmp4:
0x63: {  	_ = 	snop;
	(pc) =	sbr.rel .LBB1_4-.Ltmp4, $1  }
0x64: {  	_ =	sdelay $0x3  }
.LBB1_6:
0x65: {  	_ =	sfence.sel $0x180000  }
0x66: {  	s2 =	simm.s32 $0x1;
	[bflag:$0x0] =	sbarrier.arrive $0xFFFF  }
0x67: {  	s31 =	simm.s32 $0x2;
	[sflag:s2] =	ssyncpa.u1 $0x1  }
0x68: {  	[sflag:s31] =	ssyncpa.u1 $0x1  }
0x69: {  	p0 =	sne.s32 s0, $0x0;
	_ =	strace $0x9000004A  }
0x6a: {  	s0 =	sadd.s32 @!p0 $0x100000, s1;
	[bflag:$0x2] =	sbarrier.arrive $0xFFFF  }
0x6b: {  	[sflag:s0] =	ssyncadd.tile.s32 @!p0 $0x1;
	_ =	shalt  }
.Lfunc_end1:
_tile_overlayer_lowered:
.L_overlay_start_2:
0x6c: {  	(tag) =	ssettag $0x2  }
0x6d: {  	s0 =	rddreg [dreg:$0x0];
	s2 =	stileid.u32  }
0x6e: {  	s1 =	rddreg [dreg:$0x1];
	p0 =	sne.s32 s2, $0x0  }
0x6f: {  	s3 =	rddreg [dreg:$0x2];
	[bflag:$0x3] =	sbarrier.arrive $0xFFFF;
	s2 =	simm.s32 @!p0 $0x1C01  }
0x70: {  	[timem:s3], [sflag:s2] =	dma.local @!p0 [hbm:s0], s1  }
0x71: {  	s0 =	simm.s32 @!p0 $0x1  }
0x72: {  	_ =	swait.ge @!p0 [sflag:s0], s1  }
0x73: {  	s1 =	ssub.s32 @!p0 $0x0, s1;
	[sflag:s0] =	ssyncset.done @!p0 $0x0  }
0x74: {  	[sflag:s0] =	ssyncadd.s32 @!p0 s1  }
0x75: {  	[bflag:$0x3] =	sbarrier.arrive $0xFFFF  }
0x76: {  	_ =	shalt  }

</sc_bundles>
